<compile_context>
chip_gen: v7x
topology: tpu7x:2x2x1
jax: 0.10.2.dev20260603
libtpu: 0.0.44.dev20260713+nightly
codegen_flags: <defaults>
</compile_context>

<pallas_src>
import jax
import jax.numpy as jnp
from jax import lax
from jax.experimental import pallas as pl
from jax.experimental.pallas import tpu as pltpu
from jax.experimental.pallas import tpu_sc as plsc

N_NODES = 10000
N_EDGES = 320000
FEAT = 128

NC = 2
NS = 16
NW = NC * NS

CHUNK = 64
NBUF = 4
ROWS = N_EDGES // CHUNK
CPW = 160
STAGE = 40
NSEG = CPW // STAGE
LAST_SEGS = (ROWS - (NW - 1) * CPW) // STAGE

ROWS_PER_TILE = (-(-N_NODES // NS) + 7) // 8 * 8
PART_ROWS = ROWS_PER_TILE * NS
ZERO_ROWS = PART_ROWS // NS


def _mm_hs_body(h_ref, wt_ref, b_ref, o_ref):
    o_ref[...] = (
        jnp.dot(h_ref[...], wt_ref[...], preferred_element_type=jnp.float32)
        + b_ref[...]
    )


def _mm_out_body(p_ref, w_ref, b_ref, o_ref):
    agg = p_ref[0] + p_ref[1]
    o_ref[...] = (
        jnp.dot(agg, w_ref[...], preferred_element_type=jnp.float32)
        + b_ref[...]
    )


def _sc_body(hs_hbm, adj_hbm, zeros_hbm, out_hbm,
             agg, src_v, dst_v, msgs, gsems, ssems, zsem):
    c = lax.axis_index("core")
    s = lax.axis_index("subcore")
    wid = s * NC + c
    nseg = lax.select(wid == NW - 1, LAST_SEGS, NSEG)

    zero_dma = pltpu.async_copy(
        zeros_hbm, agg.at[pl.ds(s * ZERO_ROWS, ZERO_ROWS)], zsem)

    pltpu.sync_copy(adj_hbm.at[0, pl.ds(wid * CPW, STAGE)], src_v)
    pltpu.sync_copy(adj_hbm.at[1, pl.ds(wid * CPW, STAGE)], dst_v)
    pltpu.async_copy(hs_hbm.at[src_v.at[0]], msgs[0], gsems[0])
    pltpu.async_copy(hs_hbm.at[src_v.at[1]], msgs[1], gsems[1])

    zero_dma.wait()
    plsc.subcore_barrier()

    def wait_gather(b):
        pltpu.make_async_copy(
            hs_hbm.at[pl.ds(0, CHUNK)], msgs[b], gsems[b]).wait()

    def wait_scatter(b):
        pltpu.make_async_copy(
            msgs[b], agg.at[pl.ds(0, CHUNK)], ssems[b]).wait()

    for h in range(NSEG):

        @pl.when(h < nseg)
        def _():
            if h > 0:
                base = wid * CPW + h * STAGE
                pltpu.sync_copy(adj_hbm.at[0, pl.ds(base, STAGE)], src_v)
                pltpu.sync_copy(adj_hbm.at[1, pl.ds(base, STAGE)], dst_v)

                pltpu.async_copy(hs_hbm.at[src_v.at[0]], msgs[0], gsems[0])
                pltpu.async_copy(hs_hbm.at[src_v.at[1]], msgs[1], gsems[1])

            @pl.loop(0, STAGE, step=NBUF)
            def _(g):
                for b in range(NBUF):
                    j = g + b
                    bn = (b + 2) % NBUF

                    @pl.when(j >= 2)
                    def _():
                        wait_scatter(bn)

                    @pl.when(j + 2 < STAGE)
                    def _():
                        pltpu.async_copy(
                            hs_hbm.at[src_v.at[j + 2]], msgs[bn], gsems[bn])

                    wait_gather(b)
                    pltpu.async_copy(
                        msgs[b], agg.at[dst_v.at[j]], ssems[b], add=True)

            wait_scatter((STAGE - 2) % NBUF)
            wait_scatter((STAGE - 1) % NBUF)

    plsc.subcore_barrier()

    pltpu.sync_copy(
        agg.at[pl.ds(s * ROWS_PER_TILE, ROWS_PER_TILE)],
        out_hbm.at[c, pl.ds(s * ROWS_PER_TILE, ROWS_PER_TILE)],
    )


def kernel(h, adj, lin_W, lin_b, weight, bias):
    h = h.astype(jnp.float32)
    adj_r = adj.astype(jnp.int32).reshape(2, ROWS, CHUNK)

    blk = 2000
    hs = pl.pallas_call(
        _mm_hs_body,
        grid=(N_NODES // blk,),
        in_specs=[
            pl.BlockSpec((blk, FEAT), lambda i: (i, 0)),
            pl.BlockSpec((FEAT, FEAT), lambda i: (0, 0)),
            pl.BlockSpec((1, FEAT), lambda i: (0, 0)),
        ],
        out_specs=pl.BlockSpec((blk, FEAT), lambda i: (i, 0)),
        out_shape=jax.ShapeDtypeStruct((N_NODES, FEAT), jnp.float32),
    )(h, lin_W.T, lin_b.reshape(1, FEAT))

    zeros = jnp.zeros((ZERO_ROWS, FEAT), jnp.float32)
    mesh = plsc.VectorSubcoreMesh(
        core_axis_name="core", subcore_axis_name="subcore")
    sc_call = pl.kernel(
        _sc_body,
        out_type=jax.ShapeDtypeStruct((NC, PART_ROWS, FEAT), jnp.float32),
        mesh=mesh,
        scratch_types=[
            pltpu.VMEM_SHARED((PART_ROWS, FEAT), jnp.float32),
            pltpu.VMEM((STAGE, CHUNK), jnp.int32),
            pltpu.VMEM((STAGE, CHUNK), jnp.int32),
            [pltpu.VMEM((CHUNK, FEAT), jnp.float32) for _ in range(NBUF)],
            [pltpu.SemaphoreType.DMA for _ in range(NBUF)],
            [pltpu.SemaphoreType.DMA for _ in range(NBUF)],
            pltpu.SemaphoreType.DMA,
        ],
    )
    partials = sc_call(hs, adj_r, zeros)

    out = pl.pallas_call(
        _mm_out_body,
        grid=(N_NODES // blk,),
        in_specs=[
            pl.BlockSpec((NC, blk, FEAT), lambda i: (0, i, 0)),
            pl.BlockSpec((FEAT, FEAT), lambda i: (0, 0)),
            pl.BlockSpec((1, FEAT), lambda i: (0, 0)),
        ],
        out_specs=pl.BlockSpec((blk, FEAT), lambda i: (i, 0)),
        out_shape=jax.ShapeDtypeStruct((N_NODES, FEAT), jnp.float32),
    )(partials, weight, bias.reshape(1, FEAT))
    return out

# --- scband reference (transcript-rebuilt; emitter-appended) ---
"""Pipeline reference for scband-rgcn-46179488366663 (READ-ONLY COPY).

The authoritative reference and input builder live on the scoring server;
editing this copy changes nothing except your own understanding.
"""

import jax, jax.numpy as jnp
import numpy as np

N_NODES = 10000
N_EDGES = 320000
IN_FEAT = 128
HID_FEAT = 128
OUT_FEAT = 128


def setup_inputs(seed: int = 0) -> dict:
    key = jax.random.key(seed)
    k1, k2, k3, k4, k5 = jax.random.split(key, 5)
    h = jax.random.normal(k1, (N_NODES, IN_FEAT), dtype=jnp.float32)
    adj = jax.random.randint(k2, (2, N_EDGES), 0, N_NODES, dtype=jnp.int64)
    # nn.Linear(in_feat, hid_feat) parameters
    bound = 1.0 / np.sqrt(IN_FEAT)
    lin_W = jax.random.uniform(k3, (HID_FEAT, IN_FEAT), dtype=jnp.float32, minval=-bound, maxval=bound)
    lin_b = jax.random.uniform(k4, (HID_FEAT,), dtype=jnp.float32, minval=-bound, maxval=bound)
    # self.weight = nn.Parameter(torch.Tensor(hid_feat, hid_feat)) -- uninitialized in torch; use randn scaled
    weight = jax.random.normal(k5, (HID_FEAT, HID_FEAT), dtype=jnp.float32) * 0.02
    # self.bias initialized to zeros
    bias = jnp.zeros((OUT_FEAT,), dtype=jnp.float32)
    return {"h": h, "adj": adj, "lin_W": lin_W, "lin_b": lin_b, "weight": weight, "bias": bias}


def reference(h, adj, lin_W, lin_b, weight, bias):
    # RGCN-style message passing layer:
    # 1. project node features (self.linear)
    hs = h @ lin_W.T + lin_b                       # [N, hid]
    # 2. gather source-node messages along edges
    src = adj[0]
    dst = adj[1]
    msg = jnp.take(hs, src, axis=0)                # [E, hid] gather
    # 3. scatter-add aggregate messages at destination nodes
    agg = jax.ops.segment_sum(msg, dst, num_segments=N_NODES)  # [N, hid]
    # 4. relation transform + bias
    out = agg @ weight + bias                      # [N, out]
    return out

if __name__ == "__main__":
    import jax
    _d = setup_inputs()
    print(jax.jit(kernel)(*tuple(_d.values())))

</pallas_src>

<mosaic_0001>
#map = affine_map<(d0, d1) -> (0, 0)>
#map1 = affine_map<(d0, d1) -> (0, 0, 0)>
module attributes {stable_mosaic.version = 14 : i64} {
  func.func @_sc_body(%arg0: i32, %arg1: i32, %arg2: memref<10000x128xf32, #tpu.memory_space<hbm>>, %arg3: memref<2x5000x64xi32, #tpu.memory_space<hbm>>, %arg4: memref<632x128xf32, #tpu.memory_space<hbm>>, %arg5: memref<2x10112x128xf32, #tpu.memory_space<hbm>>, %arg6: memref<10112x128xf32, #tpu.memory_space<vmem_shared>>, %arg7: memref<40x64xi32, #tpu.memory_space<vmem>>, %arg8: memref<40x64xi32, #tpu.memory_space<vmem>>, %arg9: memref<64x128xf32, #tpu.memory_space<vmem>>, %arg10: memref<64x128xf32, #tpu.memory_space<vmem>>, %arg11: memref<64x128xf32, #tpu.memory_space<vmem>>, %arg12: memref<64x128xf32, #tpu.memory_space<vmem>>, %arg13: memref<!tpu.dma_semaphore, #tpu.memory_space<semaphore_mem>>, %arg14: memref<!tpu.dma_semaphore, #tpu.memory_space<semaphore_mem>>, %arg15: memref<!tpu.dma_semaphore, #tpu.memory_space<semaphore_mem>>, %arg16: memref<!tpu.dma_semaphore, #tpu.memory_space<semaphore_mem>>, %arg17: memref<!tpu.dma_semaphore, #tpu.memory_space<semaphore_mem>>, %arg18: memref<!tpu.dma_semaphore, #tpu.memory_space<semaphore_mem>>, %arg19: memref<!tpu.dma_semaphore, #tpu.memory_space<semaphore_mem>>, %arg20: memref<!tpu.dma_semaphore, #tpu.memory_space<semaphore_mem>>, %arg21: memref<!tpu.dma_semaphore, #tpu.memory_space<semaphore_mem>>) attributes {dimension_semantics = [#tpu.dimension_semantics<core_parallel>, #tpu.dimension_semantics<subcore_parallel>], iteration_bounds = array<i64: 2, 16>, scalar_prefetch = 0 : i64, scratch_operands = 16 : i64, tpu.core_type = #tpu.core_type<sc_vector_subcore>, window_params = [{transform_indices = #map}, {transform_indices = #map1}, {transform_indices = #map}, {transform_indices = #map1}]} {
    %mul3A = arith.constant 2 : i32
    %mul3A_0 = arith.muli %arg1, %mul3A : i32
    %add3A = arith.addi %mul3A_0, %arg0 : i32
    %eq3A = arith.constant 31 : i32
    %eq3A_1 = arith.cmpi eq, %add3A, %eq3A : i32
    %select_n3A = arith.constant 4 : i32
    %select_n3A_2 = arith.constant 1 : i32
    %select_n3A_3 = arith.select %eq3A_1, %select_n3A_2, %select_n3A : i32
    %mul3A_4 = arith.constant 632 : i32
    %mul3A_5 = arith.muli %arg1, %mul3A_4 : i32
    %dma_start3A = arith.constant 0 : i32
    %dma_start3A_6 = tpu.memref_slice %arg6[%mul3A_5, %dma_start3A] : memref<10112x128xf32, #tpu.memory_space<vmem_shared>> -> memref<632x128xf32, #tpu.memory_space<vmem_shared>>
    tpu.enqueue_dma source(%arg4 : memref<632x128xf32, #tpu.memory_space<hbm>>) target(%dma_start3A_6 : memref<632x128xf32, #tpu.memory_space<vmem_shared>>) target_semaphore(%arg21 : memref<!tpu.dma_semaphore, #tpu.memory_space<semaphore_mem>>)
    %mul3A_7 = arith.constant 160 : i32
    %mul3A_8 = arith.muli %add3A, %mul3A_7 : i32
    %run_scoped3A = arith.constant 0 : i32
    "tpu.region"() ({
      %run_scoped3A_49 = tpu.sem_alloc : memref<!tpu.dma_semaphore, #tpu.memory_space<semaphore_mem>>
      %dma_start3A_50 = arith.constant 0 : i32
      %dma_start3A_51 = tpu.memref_slice %arg3[%run_scoped3A, %mul3A_8, %dma_start3A_50] : memref<2x5000x64xi32, #tpu.memory_space<hbm>> -> memref<1x40x64xi32, #tpu.memory_space<hbm>>
      %dma_start3A_52 = tpu.memref_squeeze %dma_start3A_51 : memref<1x40x64xi32, #tpu.memory_space<hbm>> -> memref<40x64xi32, #tpu.memory_space<hbm>>
      %dma_start3A_53 = arith.constant 0 : i32
      %dma_start3A_54 = tpu.memref_slice %arg3[%run_scoped3A, %mul3A_8, %dma_start3A_53] : memref<2x5000x64xi32, #tpu.memory_space<hbm>> -> memref<1x40x64xi32, #tpu.memory_space<hbm>>
      %dma_start3A_55 = tpu.memref_squeeze %dma_start3A_54 : memref<1x40x64xi32, #tpu.memory_space<hbm>> -> memref<40x64xi32, #tpu.memory_space<hbm>>
      tpu.enqueue_dma source(%dma_start3A_55 : memref<40x64xi32, #tpu.memory_space<hbm>>) target(%arg7 : memref<40x64xi32, #tpu.memory_space<vmem>>) target_semaphore(%run_scoped3A_49 : memref<!tpu.dma_semaphore, #tpu.memory_space<semaphore_mem>>)
      %dma_wait3A_56 = arith.constant 0 : i32
      %dma_wait3A_57 = tpu.memref_slice %arg3[%run_scoped3A, %mul3A_8, %dma_wait3A_56] : memref<2x5000x64xi32, #tpu.memory_space<hbm>> -> memref<1x40x64xi32, #tpu.memory_space<hbm>>
      %dma_wait3A_58 = tpu.memref_squeeze %dma_wait3A_57 : memref<1x40x64xi32, #tpu.memory_space<hbm>> -> memref<40x64xi32, #tpu.memory_space<hbm>>
      %dma_wait3A_59 = arith.constant 0 : i32
      %dma_wait3A_60 = tpu.memref_slice %arg3[%run_scoped3A, %mul3A_8, %dma_wait3A_59] : memref<2x5000x64xi32, #tpu.memory_space<hbm>> -> memref<1x40x64xi32, #tpu.memory_space<hbm>>
      %dma_wait3A_61 = tpu.memref_squeeze %dma_wait3A_60 : memref<1x40x64xi32, #tpu.memory_space<hbm>> -> memref<40x64xi32, #tpu.memory_space<hbm>>
      tpu.wait_dma2 semaphore(%run_scoped3A_49 : memref<!tpu.dma_semaphore, #tpu.memory_space<semaphore_mem>>) src(%dma_wait3A_61 : memref<40x64xi32, #tpu.memory_space<hbm>>) dst(%arg7 : memref<40x64xi32, #tpu.memory_space<vmem>>)
      tpu.yield
    }) : () -> ()
    %mul3A_9 = arith.constant 160 : i32
    %mul3A_10 = arith.muli %add3A, %mul3A_9 : i32
    %run_scoped3A_11 = arith.constant 1 : i32
    "tpu.region"() ({
      %run_scoped3A_49 = tpu.sem_alloc : memref<!tpu.dma_semaphore, #tpu.memory_space<semaphore_mem>>
      %dma_start3A_50 = arith.constant 0 : i32
      %dma_start3A_51 = tpu.memref_slice %arg3[%run_scoped3A_11, %mul3A_10, %dma_start3A_50] : memref<2x5000x64xi32, #tpu.memory_space<hbm>> -> memref<1x40x64xi32, #tpu.memory_space<hbm>>
      %dma_start3A_52 = tpu.memref_squeeze %dma_start3A_51 : memref<1x40x64xi32, #tpu.memory_space<hbm>> -> memref<40x64xi32, #tpu.memory_space<hbm>>
      %dma_start3A_53 = arith.constant 0 : i32
      %dma_start3A_54 = tpu.memref_slice %arg3[%run_scoped3A_11, %mul3A_10, %dma_start3A_53] : memref<2x5000x64xi32, #tpu.memory_space<hbm>> -> memref<1x40x64xi32, #tpu.memory_space<hbm>>
      %dma_start3A_55 = tpu.memref_squeeze %dma_start3A_54 : memref<1x40x64xi32, #tpu.memory_space<hbm>> -> memref<40x64xi32, #tpu.memory_space<hbm>>
      tpu.enqueue_dma source(%dma_start3A_55 : memref<40x64xi32, #tpu.memory_space<hbm>>) target(%arg8 : memref<40x64xi32, #tpu.memory_space<vmem>>) target_semaphore(%run_scoped3A_49 : memref<!tpu.dma_semaphore, #tpu.memory_space<semaphore_mem>>)
      %dma_wait3A_56 = arith.constant 0 : i32
      %dma_wait3A_57 = tpu.memref_slice %arg3[%run_scoped3A_11, %mul3A_10, %dma_wait3A_56] : memref<2x5000x64xi32, #tpu.memory_space<hbm>> -> memref<1x40x64xi32, #tpu.memory_space<hbm>>
      %dma_wait3A_58 = tpu.memref_squeeze %dma_wait3A_57 : memref<1x40x64xi32, #tpu.memory_space<hbm>> -> memref<40x64xi32, #tpu.memory_space<hbm>>
      %dma_wait3A_59 = arith.constant 0 : i32
      %dma_wait3A_60 = tpu.memref_slice %arg3[%run_scoped3A_11, %mul3A_10, %dma_wait3A_59] : memref<2x5000x64xi32, #tpu.memory_space<hbm>> -> memref<1x40x64xi32, #tpu.memory_space<hbm>>
      %dma_wait3A_61 = tpu.memref_squeeze %dma_wait3A_60 : memref<1x40x64xi32, #tpu.memory_space<hbm>> -> memref<40x64xi32, #tpu.memory_space<hbm>>
      tpu.wait_dma2 semaphore(%run_scoped3A_49 : memref<!tpu.dma_semaphore, #tpu.memory_space<semaphore_mem>>) src(%dma_wait3A_61 : memref<40x64xi32, #tpu.memory_space<hbm>>) dst(%arg8 : memref<40x64xi32, #tpu.memory_space<vmem>>)
      tpu.yield
    }) : () -> ()
    %dma_start3A_12 = arith.constant 0 : i32
    %dma_start3A_13 = arith.constant 0 : i32
    %dma_start3A_14 = tpu.memref_slice %arg7[%dma_start3A_12, %dma_start3A_13] : memref<40x64xi32, #tpu.memory_space<vmem>> -> memref<1x64xi32, #tpu.memory_space<vmem>>
    %dma_start3A_15 = tpu.memref_squeeze %dma_start3A_14 : memref<1x64xi32, #tpu.memory_space<vmem>> -> memref<64xi32, #tpu.memory_space<vmem>>
    %dma_start3A_16 = arith.constant 0 : i32
    %dma_start3A_17 = arith.constant 0 : i32
    %dma_start3A_18 = tpu.memref_slice %arg2[%dma_start3A_16, %dma_start3A_17] : memref<10000x128xf32, #tpu.memory_space<hbm>> -> memref<10000x128xf32, #tpu.memory_space<hbm>>
    tpu.enqueue_indirect_dma source(%dma_start3A_18 : memref<10000x128xf32, #tpu.memory_space<hbm>>) target(%arg9 : memref<64x128xf32, #tpu.memory_space<vmem>>) offsets(%dma_start3A_15 : memref<64xi32, #tpu.memory_space<vmem>>) semaphore(%arg13 : memref<!tpu.dma_semaphore, #tpu.memory_space<semaphore_mem>>)
    %dma_start3A_19 = arith.constant 1 : i32
    %dma_start3A_20 = arith.constant 0 : i32
    %dma_start3A_21 = tpu.memref_slice %arg7[%dma_start3A_19, %dma_start3A_20] : memref<40x64xi32, #tpu.memory_space<vmem>> -> memref<1x64xi32, #tpu.memory_space<vmem>>
    %dma_start3A_22 = tpu.memref_squeeze %dma_start3A_21 : memref<1x64xi32, #tpu.memory_space<vmem>> -> memref<64xi32, #tpu.memory_space<vmem>>
    %dma_start3A_23 = arith.constant 0 : i32
    %dma_start3A_24 = arith.constant 0 : i32
    %dma_start3A_25 = tpu.memref_slice %arg2[%dma_start3A_23, %dma_start3A_24] : memref<10000x128xf32, #tpu.memory_space<hbm>> -> memref<10000x128xf32, #tpu.memory_space<hbm>>
    tpu.enqueue_indirect_dma source(%dma_start3A_25 : memref<10000x128xf32, #tpu.memory_space<hbm>>) target(%arg10 : memref<64x128xf32, #tpu.memory_space<vmem>>) offsets(%dma_start3A_22 : memref<64xi32, #tpu.memory_space<vmem>>) semaphore(%arg14 : memref<!tpu.dma_semaphore, #tpu.memory_space<semaphore_mem>>)
    %dma_wait3A = arith.constant 0 : i32
    %dma_wait3A_26 = tpu.memref_slice %arg6[%mul3A_5, %dma_wait3A] : memref<10112x128xf32, #tpu.memory_space<vmem_shared>> -> memref<632x128xf32, #tpu.memory_space<vmem_shared>>
    tpu.wait_dma2 semaphore(%arg21 : memref<!tpu.dma_semaphore, #tpu.memory_space<semaphore_mem>>) src(%arg4 : memref<632x128xf32, #tpu.memory_space<hbm>>) dst(%dma_wait3A_26 : memref<632x128xf32, #tpu.memory_space<vmem_shared>>)
    %barrier3A = arith.constant 0 : index
    tpu.barrier barrier_id(%barrier3A)
    %gt3A = arith.constant 0 : i32
    %gt3A_27 = arith.cmpi sgt, %select_n3A_3, %gt3A : i32
    %convert_element_type3A = arith.extui %gt3A_27 : i1 to i32
    %cond3A = arith.constant 0 : i32
    %cond3A_28 = arith.cmpi ne, %convert_element_type3A, %cond3A : i32
    scf.if %cond3A_28 {
      %scan3A = arith.constant 0 : i32
      %scan3A_49 = arith.constant 10 : i32
      %scan3A_50 = arith.addi %scan3A, %scan3A_49 : i32
      %scan3A_51 = arith.constant 1 : i32
      scf.for %scan3A_65 = %scan3A to %scan3A_50 step %scan3A_51  : i32 {
        %mul3A_66 = arith.constant 4 : i32
        %mul3A_67 = arith.muli %scan3A_65, %mul3A_66 : i32
        %add3A_68 = arith.constant 0 : i32
        %add3A_69 = arith.addi %add3A_68, %mul3A_67 : i32
        %add3A_70 = arith.constant 0 : i32
        %add3A_71 = arith.addi %add3A_69, %add3A_70 : i32
        %ge3A = arith.constant 2 : i32
        %ge3A_72 = arith.cmpi sge, %add3A_71, %ge3A : i32
        %convert_element_type3A_73 = arith.extui %ge3A_72 : i1 to i32
        %cond3A_74 = arith.constant 0 : i32
        %cond3A_75 = arith.cmpi ne, %convert_element_type3A_73, %cond3A_74 : i32
        scf.if %cond3A_75 {
          %dma_wait3A_172 = arith.constant 0 : i32
          %dma_wait3A_173 = arith.constant 0 : i32
          %dma_wait3A_174 = tpu.memref_slice %arg6[%dma_wait3A_172, %dma_wait3A_173] : memref<10112x128xf32, #tpu.memory_space<vmem_shared>> -> memref<64x128xf32, #tpu.memory_space<vmem_shared>>
          %dma_wait3A_175 = arith.constant 0 : i32
          %dma_wait3A_176 = arith.constant 0 : i32
          %dma_wait3A_177 = tpu.memref_slice %arg6[%dma_wait3A_175, %dma_wait3A_176] : memref<10112x128xf32, #tpu.memory_space<vmem_shared>> -> memref<64x128xf32, #tpu.memory_space<vmem_shared>>
          tpu.wait_dma2 semaphore(%arg19 : memref<!tpu.dma_semaphore, #tpu.memory_space<semaphore_mem>>) src(%arg11 : memref<64x128xf32, #tpu.memory_space<vmem>>) dst(%dma_wait3A_177 : memref<64x128xf32, #tpu.memory_space<vmem_shared>>)
        } else {
        }
        %add3A_76 = arith.constant 2 : i32
        %add3A_77 = arith.addi %add3A_71, %add3A_76 : i32
        %lt3A = arith.constant 40 : i32
        %lt3A_78 = arith.cmpi slt, %add3A_77, %lt3A : i32
        %convert_element_type3A_79 = arith.extui %lt3A_78 : i1 to i32
        %cond3A_80 = arith.constant 0 : i32
        %cond3A_81 = arith.cmpi ne, %convert_element_type3A_79, %cond3A_80 : i32
        scf.if %cond3A_81 {
          %add3A_172 = arith.constant 2 : i32
          %add3A_173 = arith.addi %add3A_71, %add3A_172 : i32
          %dma_start3A_174 = arith.constant 0 : i32
          %dma_start3A_175 = tpu.memref_slice %arg7[%add3A_173, %dma_start3A_174] : memref<40x64xi32, #tpu.memory_space<vmem>> -> memref<1x64xi32, #tpu.memory_space<vmem>>
          %dma_start3A_176 = tpu.memref_squeeze %dma_start3A_175 : memref<1x64xi32, #tpu.memory_space<vmem>> -> memref<64xi32, #tpu.memory_space<vmem>>
          %dma_start3A_177 = arith.constant 0 : i32
          %dma_start3A_178 = arith.constant 0 : i32
          %dma_start3A_179 = tpu.memref_slice %arg2[%dma_start3A_177, %dma_start3A_178] : memref<10000x128xf32, #tpu.memory_space<hbm>> -> memref<10000x128xf32, #tpu.memory_space<hbm>>
          tpu.enqueue_indirect_dma source(%dma_start3A_179 : memref<10000x128xf32, #tpu.memory_space<hbm>>) target(%arg11 : memref<64x128xf32, #tpu.memory_space<vmem>>) offsets(%dma_start3A_176 : memref<64xi32, #tpu.memory_space<vmem>>) semaphore(%arg15 : memref<!tpu.dma_semaphore, #tpu.memory_space<semaphore_mem>>)
        } else {
        }
        %dma_wait3A_82 = arith.constant 0 : i32
        %dma_wait3A_83 = arith.constant 0 : i32
        %dma_wait3A_84 = tpu.memref_slice %arg2[%dma_wait3A_82, %dma_wait3A_83] : memref<10000x128xf32, #tpu.memory_space<hbm>> -> memref<64x128xf32, #tpu.memory_space<hbm>>
        %dma_wait3A_85 = arith.constant 0 : i32
        %dma_wait3A_86 = arith.constant 0 : i32
        %dma_wait3A_87 = tpu.memref_slice %arg2[%dma_wait3A_85, %dma_wait3A_86] : memref<10000x128xf32, #tpu.memory_space<hbm>> -> memref<64x128xf32, #tpu.memory_space<hbm>>
        tpu.wait_dma2 semaphore(%arg13 : memref<!tpu.dma_semaphore, #tpu.memory_space<semaphore_mem>>) src(%dma_wait3A_87 : memref<64x128xf32, #tpu.memory_space<hbm>>) dst(%arg9 : memref<64x128xf32, #tpu.memory_space<vmem>>)
        %dma_start3A_88 = arith.constant 0 : i32
        %dma_start3A_89 = tpu.memref_slice %arg8[%add3A_71, %dma_start3A_88] : memref<40x64xi32, #tpu.memory_space<vmem>> -> memref<1x64xi32, #tpu.memory_space<vmem>>
        %dma_start3A_90 = tpu.memref_squeeze %dma_start3A_89 : memref<1x64xi32, #tpu.memory_space<vmem>> -> memref<64xi32, #tpu.memory_space<vmem>>
        %dma_start3A_91 = arith.constant 0 : i32
        %dma_start3A_92 = arith.constant 0 : i32
        %dma_start3A_93 = tpu.memref_slice %arg6[%dma_start3A_91, %dma_start3A_92] : memref<10112x128xf32, #tpu.memory_space<vmem_shared>> -> memref<10112x128xf32, #tpu.memory_space<vmem_shared>>
        tpu.enqueue_indirect_dma source(%arg9 : memref<64x128xf32, #tpu.memory_space<vmem>>) target(%dma_start3A_93 : memref<10112x128xf32, #tpu.memory_space<vmem_shared>>) offsets(%dma_start3A_90 : memref<64xi32, #tpu.memory_space<vmem>>) semaphore(%arg17 : memref<!tpu.dma_semaphore, #tpu.memory_space<semaphore_mem>>) {add = true}
        %add3A_94 = arith.constant 1 : i32
        %add3A_95 = arith.addi %add3A_69, %add3A_94 : i32
        %ge3A_96 = arith.constant 2 : i32
        %ge3A_97 = arith.cmpi sge, %add3A_95, %ge3A_96 : i32
        %convert_element_type3A_98 = arith.extui %ge3A_97 : i1 to i32
        %cond3A_99 = arith.constant 0 : i32
        %cond3A_100 = arith.cmpi ne, %convert_element_type3A_98, %cond3A_99 : i32
        scf.if %cond3A_100 {
          %dma_wait3A_172 = arith.constant 0 : i32
          %dma_wait3A_173 = arith.constant 0 : i32
          %dma_wait3A_174 = tpu.memref_slice %arg6[%dma_wait3A_172, %dma_wait3A_173] : memref<10112x128xf32, #tpu.memory_space<vmem_shared>> -> memref<64x128xf32, #tpu.memory_space<vmem_shared>>
          %dma_wait3A_175 = arith.constant 0 : i32
          %dma_wait3A_176 = arith.constant 0 : i32
          %dma_wait3A_177 = tpu.memref_slice %arg6[%dma_wait3A_175, %dma_wait3A_176] : memref<10112x128xf32, #tpu.memory_space<vmem_shared>> -> memref<64x128xf32, #tpu.memory_space<vmem_shared>>
          tpu.wait_dma2 semaphore(%arg20 : memref<!tpu.dma_semaphore, #tpu.memory_space<semaphore_mem>>) src(%arg12 : memref<64x128xf32, #tpu.memory_space<vmem>>) dst(%dma_wait3A_177 : memref<64x128xf32, #tpu.memory_space<vmem_shared>>)
        } else {
        }
        %add3A_101 = arith.constant 2 : i32
        %add3A_102 = arith.addi %add3A_95, %add3A_101 : i32
        %lt3A_103 = arith.constant 40 : i32
        %lt3A_104 = arith.cmpi slt, %add3A_102, %lt3A_103 : i32
        %convert_element_type3A_105 = arith.extui %lt3A_104 : i1 to i32
        %cond3A_106 = arith.constant 0 : i32
        %cond3A_107 = arith.cmpi ne, %convert_element_type3A_105, %cond3A_106 : i32
        scf.if %cond3A_107 {
          %add3A_172 = arith.constant 2 : i32
          %add3A_173 = arith.addi %add3A_95, %add3A_172 : i32
          %dma_start3A_174 = arith.constant 0 : i32
          %dma_start3A_175 = tpu.memref_slice %arg7[%add3A_173, %dma_start3A_174] : memref<40x64xi32, #tpu.memory_space<vmem>> -> memref<1x64xi32, #tpu.memory_space<vmem>>
          %dma_start3A_176 = tpu.memref_squeeze %dma_start3A_175 : memref<1x64xi32, #tpu.memory_space<vmem>> -> memref<64xi32, #tpu.memory_space<vmem>>
          %dma_start3A_177 = arith.constant 0 : i32
          %dma_start3A_178 = arith.constant 0 : i32
          %dma_start3A_179 = tpu.memref_slice %arg2[%dma_start3A_177, %dma_start3A_178] : memref<10000x128xf32, #tpu.memory_space<hbm>> -> memref<10000x128xf32, #tpu.memory_space<hbm>>
          tpu.enqueue_indirect_dma source(%dma_start3A_179 : memref<10000x128xf32, #tpu.memory_space<hbm>>) target(%arg12 : memref<64x128xf32, #tpu.memory_space<vmem>>) offsets(%dma_start3A_176 : memref<64xi32, #tpu.memory_space<vmem>>) semaphore(%arg16 : memref<!tpu.dma_semaphore, #tpu.memory_space<semaphore_mem>>)
        } else {
        }
        %dma_wait3A_108 = arith.constant 0 : i32
        %dma_wait3A_109 = arith.constant 0 : i32
        %dma_wait3A_110 = tpu.memref_slice %arg2[%dma_wait3A_108, %dma_wait3A_109] : memref<10000x128xf32, #tpu.memory_space<hbm>> -> memref<64x128xf32, #tpu.memory_space<hbm>>
        %dma_wait3A_111 = arith.constant 0 : i32
        %dma_wait3A_112 = arith.constant 0 : i32
        %dma_wait3A_113 = tpu.memref_slice %arg2[%dma_wait3A_111, %dma_wait3A_112] : memref<10000x128xf32, #tpu.memory_space<hbm>> -> memref<64x128xf32, #tpu.memory_space<hbm>>
        tpu.wait_dma2 semaphore(%arg14 : memref<!tpu.dma_semaphore, #tpu.memory_space<semaphore_mem>>) src(%dma_wait3A_113 : memref<64x128xf32, #tpu.memory_space<hbm>>) dst(%arg10 : memref<64x128xf32, #tpu.memory_space<vmem>>)
        %dma_start3A_114 = arith.constant 0 : i32
        %dma_start3A_115 = tpu.memref_slice %arg8[%add3A_95, %dma_start3A_114] : memref<40x64xi32, #tpu.memory_space<vmem>> -> memref<1x64xi32, #tpu.memory_space<vmem>>
        %dma_start3A_116 = tpu.memref_squeeze %dma_start3A_115 : memref<1x64xi32, #tpu.memory_space<vmem>> -> memref<64xi32, #tpu.memory_space<vmem>>
        %dma_start3A_117 = arith.constant 0 : i32
        %dma_start3A_118 = arith.constant 0 : i32
        %dma_start3A_119 = tpu.memref_slice %arg6[%dma_start3A_117, %dma_start3A_118] : memref<10112x128xf32, #tpu.memory_space<vmem_shared>> -> memref<10112x128xf32, #tpu.memory_space<vmem_shared>>
        tpu.enqueue_indirect_dma source(%arg10 : memref<64x128xf32, #tpu.memory_space<vmem>>) target(%dma_start3A_119 : memref<10112x128xf32, #tpu.memory_space<vmem_shared>>) offsets(%dma_start3A_116 : memref<64xi32, #tpu.memory_space<vmem>>) semaphore(%arg18 : memref<!tpu.dma_semaphore, #tpu.memory_space<semaphore_mem>>) {add = true}
        %add3A_120 = arith.constant 2 : i32
        %add3A_121 = arith.addi %add3A_69, %add3A_120 : i32
        %ge3A_122 = arith.constant 2 : i32
        %ge3A_123 = arith.cmpi sge, %add3A_121, %ge3A_122 : i32
        %convert_element_type3A_124 = arith.extui %ge3A_123 : i1 to i32
        %cond3A_125 = arith.constant 0 : i32
        %cond3A_126 = arith.cmpi ne, %convert_element_type3A_124, %cond3A_125 : i32
        scf.if %cond3A_126 {
          %dma_wait3A_172 = arith.constant 0 : i32
          %dma_wait3A_173 = arith.constant 0 : i32
          %dma_wait3A_174 = tpu.memref_slice %arg6[%dma_wait3A_172, %dma_wait3A_173] : memref<10112x128xf32, #tpu.memory_space<vmem_shared>> -> memref<64x128xf32, #tpu.memory_space<vmem_shared>>
          %dma_wait3A_175 = arith.constant 0 : i32
          %dma_wait3A_176 = arith.constant 0 : i32
          %dma_wait3A_177 = tpu.memref_slice %arg6[%dma_wait3A_175, %dma_wait3A_176] : memref<10112x128xf32, #tpu.memory_space<vmem_shared>> -> memref<64x128xf32, #tpu.memory_space<vmem_shared>>
          tpu.wait_dma2 semaphore(%arg17 : memref<!tpu.dma_semaphore, #tpu.memory_space<semaphore_mem>>) src(%arg9 : memref<64x128xf32, #tpu.memory_space<vmem>>) dst(%dma_wait3A_177 : memref<64x128xf32, #tpu.memory_space<vmem_shared>>)
        } else {
        }
        %add3A_127 = arith.constant 2 : i32
        %add3A_128 = arith.addi %add3A_121, %add3A_127 : i32
        %lt3A_129 = arith.constant 40 : i32
        %lt3A_130 = arith.cmpi slt, %add3A_128, %lt3A_129 : i32
        %convert_element_type3A_131 = arith.extui %lt3A_130 : i1 to i32
        %cond3A_132 = arith.constant 0 : i32
        %cond3A_133 = arith.cmpi ne, %convert_element_type3A_131, %cond3A_132 : i32
        scf.if %cond3A_133 {
          %add3A_172 = arith.constant 2 : i32
          %add3A_173 = arith.addi %add3A_121, %add3A_172 : i32
          %dma_start3A_174 = arith.constant 0 : i32
          %dma_start3A_175 = tpu.memref_slice %arg7[%add3A_173, %dma_start3A_174] : memref<40x64xi32, #tpu.memory_space<vmem>> -> memref<1x64xi32, #tpu.memory_space<vmem>>
          %dma_start3A_176 = tpu.memref_squeeze %dma_start3A_175 : memref<1x64xi32, #tpu.memory_space<vmem>> -> memref<64xi32, #tpu.memory_space<vmem>>
          %dma_start3A_177 = arith.constant 0 : i32
          %dma_start3A_178 = arith.constant 0 : i32
          %dma_start3A_179 = tpu.memref_slice %arg2[%dma_start3A_177, %dma_start3A_178] : memref<10000x128xf32, #tpu.memory_space<hbm>> -> memref<10000x128xf32, #tpu.memory_space<hbm>>
          tpu.enqueue_indirect_dma source(%dma_start3A_179 : memref<10000x128xf32, #tpu.memory_space<hbm>>) target(%arg9 : memref<64x128xf32, #tpu.memory_space<vmem>>) offsets(%dma_start3A_176 : memref<64xi32, #tpu.memory_space<vmem>>) semaphore(%arg13 : memref<!tpu.dma_semaphore, #tpu.memory_space<semaphore_mem>>)
        } else {
        }
        %dma_wait3A_134 = arith.constant 0 : i32
        %dma_wait3A_135 = arith.constant 0 : i32
        %dma_wait3A_136 = tpu.memref_slice %arg2[%dma_wait3A_134, %dma_wait3A_135] : memref<10000x128xf32, #tpu.memory_space<hbm>> -> memref<64x128xf32, #tpu.memory_space<hbm>>
        %dma_wait3A_137 = arith.constant 0 : i32
        %dma_wait3A_138 = arith.constant 0 : i32
        %dma_wait3A_139 = tpu.memref_slice %arg2[%dma_wait3A_137, %dma_wait3A_138] : memref<10000x128xf32, #tpu.memory_space<hbm>> -> memref<64x128xf32, #tpu.memory_space<hbm>>
        tpu.wait_dma2 semaphore(%arg15 : memref<!tpu.dma_semaphore, #tpu.memory_space<semaphore_mem>>) src(%dma_wait3A_139 : memref<64x128xf32, #tpu.memory_space<hbm>>) dst(%arg11 : memref<64x128xf32, #tpu.memory_space<vmem>>)
        %dma_start3A_140 = arith.constant 0 : i32
        %dma_start3A_141 = tpu.memref_slice %arg8[%add3A_121, %dma_start3A_140] : memref<40x64xi32, #tpu.memory_space<vmem>> -> memref<1x64xi32, #tpu.memory_space<vmem>>
        %dma_start3A_142 = tpu.memref_squeeze %dma_start3A_141 : memref<1x64xi32, #tpu.memory_space<vmem>> -> memref<64xi32, #tpu.memory_space<vmem>>
        %dma_start3A_143 = arith.constant 0 : i32
        %dma_start3A_144 = arith.constant 0 : i32
        %dma_start3A_145 = tpu.memref_slice %arg6[%dma_start3A_143, %dma_start3A_144] : memref<10112x128xf32, #tpu.memory_space<vmem_shared>> -> memref<10112x128xf32, #tpu.memory_space<vmem_shared>>
        tpu.enqueue_indirect_dma source(%arg11 : memref<64x128xf32, #tpu.memory_space<vmem>>) target(%dma_start3A_145 : memref<10112x128xf32, #tpu.memory_space<vmem_shared>>) offsets(%dma_start3A_142 : memref<64xi32, #tpu.memory_space<vmem>>) semaphore(%arg19 : memref<!tpu.dma_semaphore, #tpu.memory_space<semaphore_mem>>) {add = true}
        %add3A_146 = arith.constant 3 : i32
        %add3A_147 = arith.addi %add3A_69, %add3A_146 : i32
        %ge3A_148 = arith.constant 2 : i32
        %ge3A_149 = arith.cmpi sge, %add3A_147, %ge3A_148 : i32
        %convert_element_type3A_150 = arith.extui %ge3A_149 : i1 to i32
        %cond3A_151 = arith.constant 0 : i32
        %cond3A_152 = arith.cmpi ne, %convert_element_type3A_150, %cond3A_151 : i32
        scf.if %cond3A_152 {
          %dma_wait3A_172 = arith.constant 0 : i32
          %dma_wait3A_173 = arith.constant 0 : i32
          %dma_wait3A_174 = tpu.memref_slice %arg6[%dma_wait3A_172, %dma_wait3A_173] : memref<10112x128xf32, #tpu.memory_space<vmem_shared>> -> memref<64x128xf32, #tpu.memory_space<vmem_shared>>
          %dma_wait3A_175 = arith.constant 0 : i32
          %dma_wait3A_176 = arith.constant 0 : i32
          %dma_wait3A_177 = tpu.memref_slice %arg6[%dma_wait3A_175, %dma_wait3A_176] : memref<10112x128xf32, #tpu.memory_space<vmem_shared>> -> memref<64x128xf32, #tpu.memory_space<vmem_shared>>
          tpu.wait_dma2 semaphore(%arg18 : memref<!tpu.dma_semaphore, #tpu.memory_space<semaphore_mem>>) src(%arg10 : memref<64x128xf32, #tpu.memory_space<vmem>>) dst(%dma_wait3A_177 : memref<64x128xf32, #tpu.memory_space<vmem_shared>>)
        } else {
        }
        %add3A_153 = arith.constant 2 : i32
        %add3A_154 = arith.addi %add3A_147, %add3A_153 : i32
        %lt3A_155 = arith.constant 40 : i32
        %lt3A_156 = arith.cmpi slt, %add3A_154, %lt3A_155 : i32
        %convert_element_type3A_157 = arith.extui %lt3A_156 : i1 to i32
        %cond3A_158 = arith.constant 0 : i32
        %cond3A_159 = arith.cmpi ne, %convert_element_type3A_157, %cond3A_158 : i32
        scf.if %cond3A_159 {
          %add3A_172 = arith.constant 2 : i32
          %add3A_173 = arith.addi %add3A_147, %add3A_172 : i32
          %dma_start3A_174 = arith.constant 0 : i32
          %dma_start3A_175 = tpu.memref_slice %arg7[%add3A_173, %dma_start3A_174] : memref<40x64xi32, #tpu.memory_space<vmem>> -> memref<1x64xi32, #tpu.memory_space<vmem>>
          %dma_start3A_176 = tpu.memref_squeeze %dma_start3A_175 : memref<1x64xi32, #tpu.memory_space<vmem>> -> memref<64xi32, #tpu.memory_space<vmem>>
          %dma_start3A_177 = arith.constant 0 : i32
          %dma_start3A_178 = arith.constant 0 : i32
          %dma_start3A_179 = tpu.memref_slice %arg2[%dma_start3A_177, %dma_start3A_178] : memref<10000x128xf32, #tpu.memory_space<hbm>> -> memref<10000x128xf32, #tpu.memory_space<hbm>>
          tpu.enqueue_indirect_dma source(%dma_start3A_179 : memref<10000x128xf32, #tpu.memory_space<hbm>>) target(%arg10 : memref<64x128xf32, #tpu.memory_space<vmem>>) offsets(%dma_start3A_176 : memref<64xi32, #tpu.memory_space<vmem>>) semaphore(%arg14 : memref<!tpu.dma_semaphore, #tpu.memory_space<semaphore_mem>>)
        } else {
        }
        %dma_wait3A_160 = arith.constant 0 : i32
        %dma_wait3A_161 = arith.constant 0 : i32
        %dma_wait3A_162 = tpu.memref_slice %arg2[%dma_wait3A_160, %dma_wait3A_161] : memref<10000x128xf32, #tpu.memory_space<hbm>> -> memref<64x128xf32, #tpu.memory_space<hbm>>
        %dma_wait3A_163 = arith.constant 0 : i32
        %dma_wait3A_164 = arith.constant 0 : i32
        %dma_wait3A_165 = tpu.memref_slice %arg2[%dma_wait3A_163, %dma_wait3A_164] : memref<10000x128xf32, #tpu.memory_space<hbm>> -> memref<64x128xf32, #tpu.memory_space<hbm>>
        tpu.wait_dma2 semaphore(%arg16 : memref<!tpu.dma_semaphore, #tpu.memory_space<semaphore_mem>>) src(%dma_wait3A_165 : memref<64x128xf32, #tpu.memory_space<hbm>>) dst(%arg12 : memref<64x128xf32, #tpu.memory_space<vmem>>)
        %dma_start3A_166 = arith.constant 0 : i32
        %dma_start3A_167 = tpu.memref_slice %arg8[%add3A_147, %dma_start3A_166] : memref<40x64xi32, #tpu.memory_space<vmem>> -> memref<1x64xi32, #tpu.memory_space<vmem>>
        %dma_start3A_168 = tpu.memref_squeeze %dma_start3A_167 : memref<1x64xi32, #tpu.memory_space<vmem>> -> memref<64xi32, #tpu.memory_space<vmem>>
        %dma_start3A_169 = arith.constant 0 : i32
        %dma_start3A_170 = arith.constant 0 : i32
        %dma_start3A_171 = tpu.memref_slice %arg6[%dma_start3A_169, %dma_start3A_170] : memref<10112x128xf32, #tpu.memory_space<vmem_shared>> -> memref<10112x128xf32, #tpu.memory_space<vmem_shared>>
        tpu.enqueue_indirect_dma source(%arg12 : memref<64x128xf32, #tpu.memory_space<vmem>>) target(%dma_start3A_171 : memref<10112x128xf32, #tpu.memory_space<vmem_shared>>) offsets(%dma_start3A_168 : memref<64xi32, #tpu.memory_space<vmem>>) semaphore(%arg20 : memref<!tpu.dma_semaphore, #tpu.memory_space<semaphore_mem>>) {add = true}
      }
      %scan3A_52 = arith.constant 10 : i32
      %dma_wait3A_53 = arith.constant 0 : i32
      %dma_wait3A_54 = arith.constant 0 : i32
      %dma_wait3A_55 = tpu.memref_slice %arg6[%dma_wait3A_53, %dma_wait3A_54] : memref<10112x128xf32, #tpu.memory_space<vmem_shared>> -> memref<64x128xf32, #tpu.memory_space<vmem_shared>>
      %dma_wait3A_56 = arith.constant 0 : i32
      %dma_wait3A_57 = arith.constant 0 : i32
      %dma_wait3A_58 = tpu.memref_slice %arg6[%dma_wait3A_56, %dma_wait3A_57] : memref<10112x128xf32, #tpu.memory_space<vmem_shared>> -> memref<64x128xf32, #tpu.memory_space<vmem_shared>>
      tpu.wait_dma2 semaphore(%arg19 : memref<!tpu.dma_semaphore, #tpu.memory_space<semaphore_mem>>) src(%arg11 : memref<64x128xf32, #tpu.memory_space<vmem>>) dst(%dma_wait3A_58 : memref<64x128xf32, #tpu.memory_space<vmem_shared>>)
      %dma_wait3A_59 = arith.constant 0 : i32
      %dma_wait3A_60 = arith.constant 0 : i32
      %dma_wait3A_61 = tpu.memref_slice %arg6[%dma_wait3A_59, %dma_wait3A_60] : memref<10112x128xf32, #tpu.memory_space<vmem_shared>> -> memref<64x128xf32, #tpu.memory_space<vmem_shared>>
      %dma_wait3A_62 = arith.constant 0 : i32
      %dma_wait3A_63 = arith.constant 0 : i32
      %dma_wait3A_64 = tpu.memref_slice %arg6[%dma_wait3A_62, %dma_wait3A_63] : memref<10112x128xf32, #tpu.memory_space<vmem_shared>> -> memref<64x128xf32, #tpu.memory_space<vmem_shared>>
      tpu.wait_dma2 semaphore(%arg20 : memref<!tpu.dma_semaphore, #tpu.memory_space<semaphore_mem>>) src(%arg12 : memref<64x128xf32, #tpu.memory_space<vmem>>) dst(%dma_wait3A_64 : memref<64x128xf32, #tpu.memory_space<vmem_shared>>)
    } else {
    }
    %gt3A_29 = arith.constant 1 : i32
    %gt3A_30 = arith.cmpi sgt, %select_n3A_3, %gt3A_29 : i32
    %convert_element_type3A_31 = arith.extui %gt3A_30 : i1 to i32
    %cond3A_32 = arith.constant 0 : i32
    %cond3A_33 = arith.cmpi ne, %convert_element_type3A_31, %cond3A_32 : i32
    scf.if %cond3A_33 {
      %mul3A_49 = arith.constant 160 : i32
      %mul3A_50 = arith.muli %add3A, %mul3A_49 : i32
      %add3A_51 = arith.constant 40 : i32
      %add3A_52 = arith.addi %mul3A_50, %add3A_51 : i32
      %run_scoped3A_53 = arith.constant 0 : i32
      "tpu.region"() ({
        %run_scoped3A_85 = tpu.sem_alloc : memref<!tpu.dma_semaphore, #tpu.memory_space<semaphore_mem>>
        %dma_start3A_86 = arith.constant 0 : i32
        %dma_start3A_87 = tpu.memref_slice %arg3[%run_scoped3A_53, %add3A_52, %dma_start3A_86] : memref<2x5000x64xi32, #tpu.memory_space<hbm>> -> memref<1x40x64xi32, #tpu.memory_space<hbm>>
        %dma_start3A_88 = tpu.memref_squeeze %dma_start3A_87 : memref<1x40x64xi32, #tpu.memory_space<hbm>> -> memref<40x64xi32, #tpu.memory_space<hbm>>
        %dma_start3A_89 = arith.constant 0 : i32
        %dma_start3A_90 = tpu.memref_slice %arg3[%run_scoped3A_53, %add3A_52, %dma_start3A_89] : memref<2x5000x64xi32, #tpu.memory_space<hbm>> -> memref<1x40x64xi32, #tpu.memory_space<hbm>>
        %dma_start3A_91 = tpu.memref_squeeze %dma_start3A_90 : memref<1x40x64xi32, #tpu.memory_space<hbm>> -> memref<40x64xi32, #tpu.memory_space<hbm>>
        tpu.enqueue_dma source(%dma_start3A_91 : memref<40x64xi32, #tpu.memory_space<hbm>>) target(%arg7 : memref<40x64xi32, #tpu.memory_space<vmem>>) target_semaphore(%run_scoped3A_85 : memref<!tpu.dma_semaphore, #tpu.memory_space<semaphore_mem>>)
        %dma_wait3A_92 = arith.constant 0 : i32
        %dma_wait3A_93 = tpu.memref_slice %arg3[%run_scoped3A_53, %add3A_52, %dma_wait3A_92] : memref<2x5000x64xi32, #tpu.memory_space<hbm>> -> memref<1x40x64xi32, #tpu.memory_space<hbm>>
        %dma_wait3A_94 = tpu.memref_squeeze %dma_wait3A_93 : memref<1x40x64xi32, #tpu.memory_space<hbm>> -> memref<40x64xi32, #tpu.memory_space<hbm>>
        %dma_wait3A_95 = arith.constant 0 : i32
        %dma_wait3A_96 = tpu.memref_slice %arg3[%run_scoped3A_53, %add3A_52, %dma_wait3A_95] : memref<2x5000x64xi32, #tpu.memory_space<hbm>> -> memref<1x40x64xi32, #tpu.memory_space<hbm>>
        %dma_wait3A_97 = tpu.memref_squeeze %dma_wait3A_96 : memref<1x40x64xi32, #tpu.memory_space<hbm>> -> memref<40x64xi32, #tpu.memory_space<hbm>>
        tpu.wait_dma2 semaphore(%run_scoped3A_85 : memref<!tpu.dma_semaphore, #tpu.memory_space<semaphore_mem>>) src(%dma_wait3A_97 : memref<40x64xi32, #tpu.memory_space<hbm>>) dst(%arg7 : memref<40x64xi32, #tpu.memory_space<vmem>>)
        tpu.yield
      }) : () -> ()
      %run_scoped3A_54 = arith.constant 1 : i32
      "tpu.region"() ({
        %run_scoped3A_85 = tpu.sem_alloc : memref<!tpu.dma_semaphore, #tpu.memory_space<semaphore_mem>>
        %dma_start3A_86 = arith.constant 0 : i32
        %dma_start3A_87 = tpu.memref_slice %arg3[%run_scoped3A_54, %add3A_52, %dma_start3A_86] : memref<2x5000x64xi32, #tpu.memory_space<hbm>> -> memref<1x40x64xi32, #tpu.memory_space<hbm>>
        %dma_start3A_88 = tpu.memref_squeeze %dma_start3A_87 : memref<1x40x64xi32, #tpu.memory_space<hbm>> -> memref<40x64xi32, #tpu.memory_space<hbm>>
        %dma_start3A_89 = arith.constant 0 : i32
        %dma_start3A_90 = tpu.memref_slice %arg3[%run_scoped3A_54, %add3A_52, %dma_start3A_89] : memref<2x5000x64xi32, #tpu.memory_space<hbm>> -> memref<1x40x64xi32, #tpu.memory_space<hbm>>
        %dma_start3A_91 = tpu.memref_squeeze %dma_start3A_90 : memref<1x40x64xi32, #tpu.memory_space<hbm>> -> memref<40x64xi32, #tpu.memory_space<hbm>>
        tpu.enqueue_dma source(%dma_start3A_91 : memref<40x64xi32, #tpu.memory_space<hbm>>) target(%arg8 : memref<40x64xi32, #tpu.memory_space<vmem>>) target_semaphore(%run_scoped3A_85 : memref<!tpu.dma_semaphore, #tpu.memory_space<semaphore_mem>>)
        %dma_wait3A_92 = arith.constant 0 : i32
        %dma_wait3A_93 = tpu.memref_slice %arg3[%run_scoped3A_54, %add3A_52, %dma_wait3A_92] : memref<2x5000x64xi32, #tpu.memory_space<hbm>> -> memref<1x40x64xi32, #tpu.memory_space<hbm>>
        %dma_wait3A_94 = tpu.memref_squeeze %dma_wait3A_93 : memref<1x40x64xi32, #tpu.memory_space<hbm>> -> memref<40x64xi32, #tpu.memory_space<hbm>>
        %dma_wait3A_95 = arith.constant 0 : i32
        %dma_wait3A_96 = tpu.memref_slice %arg3[%run_scoped3A_54, %add3A_52, %dma_wait3A_95] : memref<2x5000x64xi32, #tpu.memory_space<hbm>> -> memref<1x40x64xi32, #tpu.memory_space<hbm>>
        %dma_wait3A_97 = tpu.memref_squeeze %dma_wait3A_96 : memref<1x40x64xi32, #tpu.memory_space<hbm>> -> memref<40x64xi32, #tpu.memory_space<hbm>>
        tpu.wait_dma2 semaphore(%run_scoped3A_85 : memref<!tpu.dma_semaphore, #tpu.memory_space<semaphore_mem>>) src(%dma_wait3A_97 : memref<40x64xi32, #tpu.memory_space<hbm>>) dst(%arg8 : memref<40x64xi32, #tpu.memory_space<vmem>>)
        tpu.yield
      }) : () -> ()
      %dma_start3A_55 = arith.constant 0 : i32
      %dma_start3A_56 = arith.constant 0 : i32
      %dma_start3A_57 = tpu.memref_slice %arg7[%dma_start3A_55, %dma_start3A_56] : memref<40x64xi32, #tpu.memory_space<vmem>> -> memref<1x64xi32, #tpu.memory_space<vmem>>
      %dma_start3A_58 = tpu.memref_squeeze %dma_start3A_57 : memref<1x64xi32, #tpu.memory_space<vmem>> -> memref<64xi32, #tpu.memory_space<vmem>>
      %dma_start3A_59 = arith.constant 0 : i32
      %dma_start3A_60 = arith.constant 0 : i32
      %dma_start3A_61 = tpu.memref_slice %arg2[%dma_start3A_59, %dma_start3A_60] : memref<10000x128xf32, #tpu.memory_space<hbm>> -> memref<10000x128xf32, #tpu.memory_space<hbm>>
      tpu.enqueue_indirect_dma source(%dma_start3A_61 : memref<10000x128xf32, #tpu.memory_space<hbm>>) target(%arg9 : memref<64x128xf32, #tpu.memory_space<vmem>>) offsets(%dma_start3A_58 : memref<64xi32, #tpu.memory_space<vmem>>) semaphore(%arg13 : memref<!tpu.dma_semaphore, #tpu.memory_space<semaphore_mem>>)
      %dma_start3A_62 = arith.constant 1 : i32
      %dma_start3A_63 = arith.constant 0 : i32
      %dma_start3A_64 = tpu.memref_slice %arg7[%dma_start3A_62, %dma_start3A_63] : memref<40x64xi32, #tpu.memory_space<vmem>> -> memref<1x64xi32, #tpu.memory_space<vmem>>
      %dma_start3A_65 = tpu.memref_squeeze %dma_start3A_64 : memref<1x64xi32, #tpu.memory_space<vmem>> -> memref<64xi32, #tpu.memory_space<vmem>>
      %dma_start3A_66 = arith.constant 0 : i32
      %dma_start3A_67 = arith.constant 0 : i32
      %dma_start3A_68 = tpu.memref_slice %arg2[%dma_start3A_66, %dma_start3A_67] : memref<10000x128xf32, #tpu.memory_space<hbm>> -> memref<10000x128xf32, #tpu.memory_space<hbm>>
      tpu.enqueue_indirect_dma source(%dma_start3A_68 : memref<10000x128xf32, #tpu.memory_space<hbm>>) target(%arg10 : memref<64x128xf32, #tpu.memory_space<vmem>>) offsets(%dma_start3A_65 : memref<64xi32, #tpu.memory_space<vmem>>) semaphore(%arg14 : memref<!tpu.dma_semaphore, #tpu.memory_space<semaphore_mem>>)
      %scan3A = arith.constant 0 : i32
      %scan3A_69 = arith.constant 10 : i32
      %scan3A_70 = arith.addi %scan3A, %scan3A_69 : i32
      %scan3A_71 = arith.constant 1 : i32
      scf.for %scan3A_85 = %scan3A to %scan3A_70 step %scan3A_71  : i32 {
        %mul3A_86 = arith.constant 4 : i32
        %mul3A_87 = arith.muli %scan3A_85, %mul3A_86 : i32
        %add3A_88 = arith.constant 0 : i32
        %add3A_89 = arith.addi %add3A_88, %mul3A_87 : i32
        %add3A_90 = arith.constant 0 : i32
        %add3A_91 = arith.addi %add3A_89, %add3A_90 : i32
        %ge3A = arith.constant 2 : i32
        %ge3A_92 = arith.cmpi sge, %add3A_91, %ge3A : i32
        %convert_element_type3A_93 = arith.extui %ge3A_92 : i1 to i32
        %cond3A_94 = arith.constant 0 : i32
        %cond3A_95 = arith.cmpi ne, %convert_element_type3A_93, %cond3A_94 : i32
        scf.if %cond3A_95 {
          %dma_wait3A_192 = arith.constant 0 : i32
          %dma_wait3A_193 = arith.constant 0 : i32
          %dma_wait3A_194 = tpu.memref_slice %arg6[%dma_wait3A_192, %dma_wait3A_193] : memref<10112x128xf32, #tpu.memory_space<vmem_shared>> -> memref<64x128xf32, #tpu.memory_space<vmem_shared>>
          %dma_wait3A_195 = arith.constant 0 : i32
          %dma_wait3A_196 = arith.constant 0 : i32
          %dma_wait3A_197 = tpu.memref_slice %arg6[%dma_wait3A_195, %dma_wait3A_196] : memref<10112x128xf32, #tpu.memory_space<vmem_shared>> -> memref<64x128xf32, #tpu.memory_space<vmem_shared>>
          tpu.wait_dma2 semaphore(%arg19 : memref<!tpu.dma_semaphore, #tpu.memory_space<semaphore_mem>>) src(%arg11 : memref<64x128xf32, #tpu.memory_space<vmem>>) dst(%dma_wait3A_197 : memref<64x128xf32, #tpu.memory_space<vmem_shared>>)
        } else {
        }
        %add3A_96 = arith.constant 2 : i32
        %add3A_97 = arith.addi %add3A_91, %add3A_96 : i32
        %lt3A = arith.constant 40 : i32
        %lt3A_98 = arith.cmpi slt, %add3A_97, %lt3A : i32
        %convert_element_type3A_99 = arith.extui %lt3A_98 : i1 to i32
        %cond3A_100 = arith.constant 0 : i32
        %cond3A_101 = arith.cmpi ne, %convert_element_type3A_99, %cond3A_100 : i32
        scf.if %cond3A_101 {
          %add3A_192 = arith.constant 2 : i32
          %add3A_193 = arith.addi %add3A_91, %add3A_192 : i32
          %dma_start3A_194 = arith.constant 0 : i32
          %dma_start3A_195 = tpu.memref_slice %arg7[%add3A_193, %dma_start3A_194] : memref<40x64xi32, #tpu.memory_space<vmem>> -> memref<1x64xi32, #tpu.memory_space<vmem>>
          %dma_start3A_196 = tpu.memref_squeeze %dma_start3A_195 : memref<1x64xi32, #tpu.memory_space<vmem>> -> memref<64xi32, #tpu.memory_space<vmem>>
          %dma_start3A_197 = arith.constant 0 : i32
          %dma_start3A_198 = arith.constant 0 : i32
          %dma_start3A_199 = tpu.memref_slice %arg2[%dma_start3A_197, %dma_start3A_198] : memref<10000x128xf32, #tpu.memory_space<hbm>> -> memref<10000x128xf32, #tpu.memory_space<hbm>>
          tpu.enqueue_indirect_dma source(%dma_start3A_199 : memref<10000x128xf32, #tpu.memory_space<hbm>>) target(%arg11 : memref<64x128xf32, #tpu.memory_space<vmem>>) offsets(%dma_start3A_196 : memref<64xi32, #tpu.memory_space<vmem>>) semaphore(%arg15 : memref<!tpu.dma_semaphore, #tpu.memory_space<semaphore_mem>>)
        } else {
        }
        %dma_wait3A_102 = arith.constant 0 : i32
        %dma_wait3A_103 = arith.constant 0 : i32
        %dma_wait3A_104 = tpu.memref_slice %arg2[%dma_wait3A_102, %dma_wait3A_103] : memref<10000x128xf32, #tpu.memory_space<hbm>> -> memref<64x128xf32, #tpu.memory_space<hbm>>
        %dma_wait3A_105 = arith.constant 0 : i32
        %dma_wait3A_106 = arith.constant 0 : i32
        %dma_wait3A_107 = tpu.memref_slice %arg2[%dma_wait3A_105, %dma_wait3A_106] : memref<10000x128xf32, #tpu.memory_space<hbm>> -> memref<64x128xf32, #tpu.memory_space<hbm>>
        tpu.wait_dma2 semaphore(%arg13 : memref<!tpu.dma_semaphore, #tpu.memory_space<semaphore_mem>>) src(%dma_wait3A_107 : memref<64x128xf32, #tpu.memory_space<hbm>>) dst(%arg9 : memref<64x128xf32, #tpu.memory_space<vmem>>)
        %dma_start3A_108 = arith.constant 0 : i32
        %dma_start3A_109 = tpu.memref_slice %arg8[%add3A_91, %dma_start3A_108] : memref<40x64xi32, #tpu.memory_space<vmem>> -> memref<1x64xi32, #tpu.memory_space<vmem>>
        %dma_start3A_110 = tpu.memref_squeeze %dma_start3A_109 : memref<1x64xi32, #tpu.memory_space<vmem>> -> memref<64xi32, #tpu.memory_space<vmem>>
        %dma_start3A_111 = arith.constant 0 : i32
        %dma_start3A_112 = arith.constant 0 : i32
        %dma_start3A_113 = tpu.memref_slice %arg6[%dma_start3A_111, %dma_start3A_112] : memref<10112x128xf32, #tpu.memory_space<vmem_shared>> -> memref<10112x128xf32, #tpu.memory_space<vmem_shared>>
        tpu.enqueue_indirect_dma source(%arg9 : memref<64x128xf32, #tpu.memory_space<vmem>>) target(%dma_start3A_113 : memref<10112x128xf32, #tpu.memory_space<vmem_shared>>) offsets(%dma_start3A_110 : memref<64xi32, #tpu.memory_space<vmem>>) semaphore(%arg17 : memref<!tpu.dma_semaphore, #tpu.memory_space<semaphore_mem>>) {add = true}
        %add3A_114 = arith.constant 1 : i32
        %add3A_115 = arith.addi %add3A_89, %add3A_114 : i32
        %ge3A_116 = arith.constant 2 : i32
        %ge3A_117 = arith.cmpi sge, %add3A_115, %ge3A_116 : i32
        %convert_element_type3A_118 = arith.extui %ge3A_117 : i1 to i32
        %cond3A_119 = arith.constant 0 : i32
        %cond3A_120 = arith.cmpi ne, %convert_element_type3A_118, %cond3A_119 : i32
        scf.if %cond3A_120 {
          %dma_wait3A_192 = arith.constant 0 : i32
          %dma_wait3A_193 = arith.constant 0 : i32
          %dma_wait3A_194 = tpu.memref_slice %arg6[%dma_wait3A_192, %dma_wait3A_193] : memref<10112x128xf32, #tpu.memory_space<vmem_shared>> -> memref<64x128xf32, #tpu.memory_space<vmem_shared>>
          %dma_wait3A_195 = arith.constant 0 : i32
          %dma_wait3A_196 = arith.constant 0 : i32
          %dma_wait3A_197 = tpu.memref_slice %arg6[%dma_wait3A_195, %dma_wait3A_196] : memref<10112x128xf32, #tpu.memory_space<vmem_shared>> -> memref<64x128xf32, #tpu.memory_space<vmem_shared>>
          tpu.wait_dma2 semaphore(%arg20 : memref<!tpu.dma_semaphore, #tpu.memory_space<semaphore_mem>>) src(%arg12 : memref<64x128xf32, #tpu.memory_space<vmem>>) dst(%dma_wait3A_197 : memref<64x128xf32, #tpu.memory_space<vmem_shared>>)
        } else {
        }
        %add3A_121 = arith.constant 2 : i32
        %add3A_122 = arith.addi %add3A_115, %add3A_121 : i32
        %lt3A_123 = arith.constant 40 : i32
        %lt3A_124 = arith.cmpi slt, %add3A_122, %lt3A_123 : i32
        %convert_element_type3A_125 = arith.extui %lt3A_124 : i1 to i32
        %cond3A_126 = arith.constant 0 : i32
        %cond3A_127 = arith.cmpi ne, %convert_element_type3A_125, %cond3A_126 : i32
        scf.if %cond3A_127 {
          %add3A_192 = arith.constant 2 : i32
          %add3A_193 = arith.addi %add3A_115, %add3A_192 : i32
          %dma_start3A_194 = arith.constant 0 : i32
          %dma_start3A_195 = tpu.memref_slice %arg7[%add3A_193, %dma_start3A_194] : memref<40x64xi32, #tpu.memory_space<vmem>> -> memref<1x64xi32, #tpu.memory_space<vmem>>
          %dma_start3A_196 = tpu.memref_squeeze %dma_start3A_195 : memref<1x64xi32, #tpu.memory_space<vmem>> -> memref<64xi32, #tpu.memory_space<vmem>>
          %dma_start3A_197 = arith.constant 0 : i32
          %dma_start3A_198 = arith.constant 0 : i32
          %dma_start3A_199 = tpu.memref_slice %arg2[%dma_start3A_197, %dma_start3A_198] : memref<10000x128xf32, #tpu.memory_space<hbm>> -> memref<10000x128xf32, #tpu.memory_space<hbm>>
          tpu.enqueue_indirect_dma source(%dma_start3A_199 : memref<10000x128xf32, #tpu.memory_space<hbm>>) target(%arg12 : memref<64x128xf32, #tpu.memory_space<vmem>>) offsets(%dma_start3A_196 : memref<64xi32, #tpu.memory_space<vmem>>) semaphore(%arg16 : memref<!tpu.dma_semaphore, #tpu.memory_space<semaphore_mem>>)
        } else {
        }
        %dma_wait3A_128 = arith.constant 0 : i32
        %dma_wait3A_129 = arith.constant 0 : i32
        %dma_wait3A_130 = tpu.memref_slice %arg2[%dma_wait3A_128, %dma_wait3A_129] : memref<10000x128xf32, #tpu.memory_space<hbm>> -> memref<64x128xf32, #tpu.memory_space<hbm>>
        %dma_wait3A_131 = arith.constant 0 : i32
        %dma_wait3A_132 = arith.constant 0 : i32
        %dma_wait3A_133 = tpu.memref_slice %arg2[%dma_wait3A_131, %dma_wait3A_132] : memref<10000x128xf32, #tpu.memory_space<hbm>> -> memref<64x128xf32, #tpu.memory_space<hbm>>
        tpu.wait_dma2 semaphore(%arg14 : memref<!tpu.dma_semaphore, #tpu.memory_space<semaphore_mem>>) src(%dma_wait3A_133 : memref<64x128xf32, #tpu.memory_space<hbm>>) dst(%arg10 : memref<64x128xf32, #tpu.memory_space<vmem>>)
        %dma_start3A_134 = arith.constant 0 : i32
        %dma_start3A_135 = tpu.memref_slice %arg8[%add3A_115, %dma_start3A_134] : memref<40x64xi32, #tpu.memory_space<vmem>> -> memref<1x64xi32, #tpu.memory_space<vmem>>
        %dma_start3A_136 = tpu.memref_squeeze %dma_start3A_135 : memref<1x64xi32, #tpu.memory_space<vmem>> -> memref<64xi32, #tpu.memory_space<vmem>>
        %dma_start3A_137 = arith.constant 0 : i32
        %dma_start3A_138 = arith.constant 0 : i32
        %dma_start3A_139 = tpu.memref_slice %arg6[%dma_start3A_137, %dma_start3A_138] : memref<10112x128xf32, #tpu.memory_space<vmem_shared>> -> memref<10112x128xf32, #tpu.memory_space<vmem_shared>>
        tpu.enqueue_indirect_dma source(%arg10 : memref<64x128xf32, #tpu.memory_space<vmem>>) target(%dma_start3A_139 : memref<10112x128xf32, #tpu.memory_space<vmem_shared>>) offsets(%dma_start3A_136 : memref<64xi32, #tpu.memory_space<vmem>>) semaphore(%arg18 : memref<!tpu.dma_semaphore, #tpu.memory_space<semaphore_mem>>) {add = true}
        %add3A_140 = arith.constant 2 : i32
        %add3A_141 = arith.addi %add3A_89, %add3A_140 : i32
        %ge3A_142 = arith.constant 2 : i32
        %ge3A_143 = arith.cmpi sge, %add3A_141, %ge3A_142 : i32
        %convert_element_type3A_144 = arith.extui %ge3A_143 : i1 to i32
        %cond3A_145 = arith.constant 0 : i32
        %cond3A_146 = arith.cmpi ne, %convert_element_type3A_144, %cond3A_145 : i32
        scf.if %cond3A_146 {
          %dma_wait3A_192 = arith.constant 0 : i32
          %dma_wait3A_193 = arith.constant 0 : i32
          %dma_wait3A_194 = tpu.memref_slice %arg6[%dma_wait3A_192, %dma_wait3A_193] : memref<10112x128xf32, #tpu.memory_space<vmem_shared>> -> memref<64x128xf32, #tpu.memory_space<vmem_shared>>
          %dma_wait3A_195 = arith.constant 0 : i32
          %dma_wait3A_196 = arith.constant 0 : i32
          %dma_wait3A_197 = tpu.memref_slice %arg6[%dma_wait3A_195, %dma_wait3A_196] : memref<10112x128xf32, #tpu.memory_space<vmem_shared>> -> memref<64x128xf32, #tpu.memory_space<vmem_shared>>
          tpu.wait_dma2 semaphore(%arg17 : memref<!tpu.dma_semaphore, #tpu.memory_space<semaphore_mem>>) src(%arg9 : memref<64x128xf32, #tpu.memory_space<vmem>>) dst(%dma_wait3A_197 : memref<64x128xf32, #tpu.memory_space<vmem_shared>>)
        } else {
        }
        %add3A_147 = arith.constant 2 : i32
        %add3A_148 = arith.addi %add3A_141, %add3A_147 : i32
        %lt3A_149 = arith.constant 40 : i32
        %lt3A_150 = arith.cmpi slt, %add3A_148, %lt3A_149 : i32
        %convert_element_type3A_151 = arith.extui %lt3A_150 : i1 to i32
        %cond3A_152 = arith.constant 0 : i32
        %cond3A_153 = arith.cmpi ne, %convert_element_type3A_151, %cond3A_152 : i32
        scf.if %cond3A_153 {
          %add3A_192 = arith.constant 2 : i32
          %add3A_193 = arith.addi %add3A_141, %add3A_192 : i32
          %dma_start3A_194 = arith.constant 0 : i32
          %dma_start3A_195 = tpu.memref_slice %arg7[%add3A_193, %dma_start3A_194] : memref<40x64xi32, #tpu.memory_space<vmem>> -> memref<1x64xi32, #tpu.memory_space<vmem>>
          %dma_start3A_196 = tpu.memref_squeeze %dma_start3A_195 : memref<1x64xi32, #tpu.memory_space<vmem>> -> memref<64xi32, #tpu.memory_space<vmem>>
          %dma_start3A_197 = arith.constant 0 : i32
          %dma_start3A_198 = arith.constant 0 : i32
          %dma_start3A_199 = tpu.memref_slice %arg2[%dma_start3A_197, %dma_start3A_198] : memref<10000x128xf32, #tpu.memory_space<hbm>> -> memref<10000x128xf32, #tpu.memory_space<hbm>>
          tpu.enqueue_indirect_dma source(%dma_start3A_199 : memref<10000x128xf32, #tpu.memory_space<hbm>>) target(%arg9 : memref<64x128xf32, #tpu.memory_space<vmem>>) offsets(%dma_start3A_196 : memref<64xi32, #tpu.memory_space<vmem>>) semaphore(%arg13 : memref<!tpu.dma_semaphore, #tpu.memory_space<semaphore_mem>>)
        } else {
        }
        %dma_wait3A_154 = arith.constant 0 : i32
        %dma_wait3A_155 = arith.constant 0 : i32
        %dma_wait3A_156 = tpu.memref_slice %arg2[%dma_wait3A_154, %dma_wait3A_155] : memref<10000x128xf32, #tpu.memory_space<hbm>> -> memref<64x128xf32, #tpu.memory_space<hbm>>
        %dma_wait3A_157 = arith.constant 0 : i32
        %dma_wait3A_158 = arith.constant 0 : i32
        %dma_wait3A_159 = tpu.memref_slice %arg2[%dma_wait3A_157, %dma_wait3A_158] : memref<10000x128xf32, #tpu.memory_space<hbm>> -> memref<64x128xf32, #tpu.memory_space<hbm>>
        tpu.wait_dma2 semaphore(%arg15 : memref<!tpu.dma_semaphore, #tpu.memory_space<semaphore_mem>>) src(%dma_wait3A_159 : memref<64x128xf32, #tpu.memory_space<hbm>>) dst(%arg11 : memref<64x128xf32, #tpu.memory_space<vmem>>)
        %dma_start3A_160 = arith.constant 0 : i32
        %dma_start3A_161 = tpu.memref_slice %arg8[%add3A_141, %dma_start3A_160] : memref<40x64xi32, #tpu.memory_space<vmem>> -> memref<1x64xi32, #tpu.memory_space<vmem>>
        %dma_start3A_162 = tpu.memref_squeeze %dma_start3A_161 : memref<1x64xi32, #tpu.memory_space<vmem>> -> memref<64xi32, #tpu.memory_space<vmem>>
        %dma_start3A_163 = arith.constant 0 : i32
        %dma_start3A_164 = arith.constant 0 : i32
        %dma_start3A_165 = tpu.memref_slice %arg6[%dma_start3A_163, %dma_start3A_164] : memref<10112x128xf32, #tpu.memory_space<vmem_shared>> -> memref<10112x128xf32, #tpu.memory_space<vmem_shared>>
        tpu.enqueue_indirect_dma source(%arg11 : memref<64x128xf32, #tpu.memory_space<vmem>>) target(%dma_start3A_165 : memref<10112x128xf32, #tpu.memory_space<vmem_shared>>) offsets(%dma_start3A_162 : memref<64xi32, #tpu.memory_space<vmem>>) semaphore(%arg19 : memref<!tpu.dma_semaphore, #tpu.memory_space<semaphore_mem>>) {add = true}
        %add3A_166 = arith.constant 3 : i32
        %add3A_167 = arith.addi %add3A_89, %add3A_166 : i32
        %ge3A_168 = arith.constant 2 : i32
        %ge3A_169 = arith.cmpi sge, %add3A_167, %ge3A_168 : i32
        %convert_element_type3A_170 = arith.extui %ge3A_169 : i1 to i32
        %cond3A_171 = arith.constant 0 : i32
        %cond3A_172 = arith.cmpi ne, %convert_element_type3A_170, %cond3A_171 : i32
        scf.if %cond3A_172 {
          %dma_wait3A_192 = arith.constant 0 : i32
          %dma_wait3A_193 = arith.constant 0 : i32
          %dma_wait3A_194 = tpu.memref_slice %arg6[%dma_wait3A_192, %dma_wait3A_193] : memref<10112x128xf32, #tpu.memory_space<vmem_shared>> -> memref<64x128xf32, #tpu.memory_space<vmem_shared>>
          %dma_wait3A_195 = arith.constant 0 : i32
          %dma_wait3A_196 = arith.constant 0 : i32
          %dma_wait3A_197 = tpu.memref_slice %arg6[%dma_wait3A_195, %dma_wait3A_196] : memref<10112x128xf32, #tpu.memory_space<vmem_shared>> -> memref<64x128xf32, #tpu.memory_space<vmem_shared>>
          tpu.wait_dma2 semaphore(%arg18 : memref<!tpu.dma_semaphore, #tpu.memory_space<semaphore_mem>>) src(%arg10 : memref<64x128xf32, #tpu.memory_space<vmem>>) dst(%dma_wait3A_197 : memref<64x128xf32, #tpu.memory_space<vmem_shared>>)
        } else {
        }
        %add3A_173 = arith.constant 2 : i32
        %add3A_174 = arith.addi %add3A_167, %add3A_173 : i32
        %lt3A_175 = arith.constant 40 : i32
        %lt3A_176 = arith.cmpi slt, %add3A_174, %lt3A_175 : i32
        %convert_element_type3A_177 = arith.extui %lt3A_176 : i1 to i32
        %cond3A_178 = arith.constant 0 : i32
        %cond3A_179 = arith.cmpi ne, %convert_element_type3A_177, %cond3A_178 : i32
        scf.if %cond3A_179 {
          %add3A_192 = arith.constant 2 : i32
          %add3A_193 = arith.addi %add3A_167, %add3A_192 : i32
          %dma_start3A_194 = arith.constant 0 : i32
          %dma_start3A_195 = tpu.memref_slice %arg7[%add3A_193, %dma_start3A_194] : memref<40x64xi32, #tpu.memory_space<vmem>> -> memref<1x64xi32, #tpu.memory_space<vmem>>
          %dma_start3A_196 = tpu.memref_squeeze %dma_start3A_195 : memref<1x64xi32, #tpu.memory_space<vmem>> -> memref<64xi32, #tpu.memory_space<vmem>>
          %dma_start3A_197 = arith.constant 0 : i32
          %dma_start3A_198 = arith.constant 0 : i32
          %dma_start3A_199 = tpu.memref_slice %arg2[%dma_start3A_197, %dma_start3A_198] : memref<10000x128xf32, #tpu.memory_space<hbm>> -> memref<10000x128xf32, #tpu.memory_space<hbm>>
          tpu.enqueue_indirect_dma source(%dma_start3A_199 : memref<10000x128xf32, #tpu.memory_space<hbm>>) target(%arg10 : memref<64x128xf32, #tpu.memory_space<vmem>>) offsets(%dma_start3A_196 : memref<64xi32, #tpu.memory_space<vmem>>) semaphore(%arg14 : memref<!tpu.dma_semaphore, #tpu.memory_space<semaphore_mem>>)
        } else {
        }
        %dma_wait3A_180 = arith.constant 0 : i32
        %dma_wait3A_181 = arith.constant 0 : i32
        %dma_wait3A_182 = tpu.memref_slice %arg2[%dma_wait3A_180, %dma_wait3A_181] : memref<10000x128xf32, #tpu.memory_space<hbm>> -> memref<64x128xf32, #tpu.memory_space<hbm>>
        %dma_wait3A_183 = arith.constant 0 : i32
        %dma_wait3A_184 = arith.constant 0 : i32
        %dma_wait3A_185 = tpu.memref_slice %arg2[%dma_wait3A_183, %dma_wait3A_184] : memref<10000x128xf32, #tpu.memory_space<hbm>> -> memref<64x128xf32, #tpu.memory_space<hbm>>
        tpu.wait_dma2 semaphore(%arg16 : memref<!tpu.dma_semaphore, #tpu.memory_space<semaphore_mem>>) src(%dma_wait3A_185 : memref<64x128xf32, #tpu.memory_space<hbm>>) dst(%arg12 : memref<64x128xf32, #tpu.memory_space<vmem>>)
        %dma_start3A_186 = arith.constant 0 : i32
        %dma_start3A_187 = tpu.memref_slice %arg8[%add3A_167, %dma_start3A_186] : memref<40x64xi32, #tpu.memory_space<vmem>> -> memref<1x64xi32, #tpu.memory_space<vmem>>
        %dma_start3A_188 = tpu.memref_squeeze %dma_start3A_187 : memref<1x64xi32, #tpu.memory_space<vmem>> -> memref<64xi32, #tpu.memory_space<vmem>>
        %dma_start3A_189 = arith.constant 0 : i32
        %dma_start3A_190 = arith.constant 0 : i32
        %dma_start3A_191 = tpu.memref_slice %arg6[%dma_start3A_189, %dma_start3A_190] : memref<10112x128xf32, #tpu.memory_space<vmem_shared>> -> memref<10112x128xf32, #tpu.memory_space<vmem_shared>>
        tpu.enqueue_indirect_dma source(%arg12 : memref<64x128xf32, #tpu.memory_space<vmem>>) target(%dma_start3A_191 : memref<10112x128xf32, #tpu.memory_space<vmem_shared>>) offsets(%dma_start3A_188 : memref<64xi32, #tpu.memory_space<vmem>>) semaphore(%arg20 : memref<!tpu.dma_semaphore, #tpu.memory_space<semaphore_mem>>) {add = true}
      }
      %scan3A_72 = arith.constant 10 : i32
      %dma_wait3A_73 = arith.constant 0 : i32
      %dma_wait3A_74 = arith.constant 0 : i32
      %dma_wait3A_75 = tpu.memref_slice %arg6[%dma_wait3A_73, %dma_wait3A_74] : memref<10112x128xf32, #tpu.memory_space<vmem_shared>> -> memref<64x128xf32, #tpu.memory_space<vmem_shared>>
      %dma_wait3A_76 = arith.constant 0 : i32
      %dma_wait3A_77 = arith.constant 0 : i32
      %dma_wait3A_78 = tpu.memref_slice %arg6[%dma_wait3A_76, %dma_wait3A_77] : memref<10112x128xf32, #tpu.memory_space<vmem_shared>> -> memref<64x128xf32, #tpu.memory_space<vmem_shared>>
      tpu.wait_dma2 semaphore(%arg19 : memref<!tpu.dma_semaphore, #tpu.memory_space<semaphore_mem>>) src(%arg11 : memref<64x128xf32, #tpu.memory_space<vmem>>) dst(%dma_wait3A_78 : memref<64x128xf32, #tpu.memory_space<vmem_shared>>)
      %dma_wait3A_79 = arith.constant 0 : i32
      %dma_wait3A_80 = arith.constant 0 : i32
      %dma_wait3A_81 = tpu.memref_slice %arg6[%dma_wait3A_79, %dma_wait3A_80] : memref<10112x128xf32, #tpu.memory_space<vmem_shared>> -> memref<64x128xf32, #tpu.memory_space<vmem_shared>>
      %dma_wait3A_82 = arith.constant 0 : i32
      %dma_wait3A_83 = arith.constant 0 : i32
      %dma_wait3A_84 = tpu.memref_slice %arg6[%dma_wait3A_82, %dma_wait3A_83] : memref<10112x128xf32, #tpu.memory_space<vmem_shared>> -> memref<64x128xf32, #tpu.memory_space<vmem_shared>>
      tpu.wait_dma2 semaphore(%arg20 : memref<!tpu.dma_semaphore, #tpu.memory_space<semaphore_mem>>) src(%arg12 : memref<64x128xf32, #tpu.memory_space<vmem>>) dst(%dma_wait3A_84 : memref<64x128xf32, #tpu.memory_space<vmem_shared>>)
    } else {
    }
    %gt3A_34 = arith.constant 2 : i32
    %gt3A_35 = arith.cmpi sgt, %select_n3A_3, %gt3A_34 : i32
    %convert_element_type3A_36 = arith.extui %gt3A_35 : i1 to i32
    %cond3A_37 = arith.constant 0 : i32
    %cond3A_38 = arith.cmpi ne, %convert_element_type3A_36, %cond3A_37 : i32
    scf.if %cond3A_38 {
      %mul3A_49 = arith.constant 160 : i32
      %mul3A_50 = arith.muli %add3A, %mul3A_49 : i32
      %add3A_51 = arith.constant 80 : i32
      %add3A_52 = arith.addi %mul3A_50, %add3A_51 : i32
      %run_scoped3A_53 = arith.constant 0 : i32
      "tpu.region"() ({
        %run_scoped3A_85 = tpu.sem_alloc : memref<!tpu.dma_semaphore, #tpu.memory_space<semaphore_mem>>
        %dma_start3A_86 = arith.constant 0 : i32
        %dma_start3A_87 = tpu.memref_slice %arg3[%run_scoped3A_53, %add3A_52, %dma_start3A_86] : memref<2x5000x64xi32, #tpu.memory_space<hbm>> -> memref<1x40x64xi32, #tpu.memory_space<hbm>>
        %dma_start3A_88 = tpu.memref_squeeze %dma_start3A_87 : memref<1x40x64xi32, #tpu.memory_space<hbm>> -> memref<40x64xi32, #tpu.memory_space<hbm>>
        %dma_start3A_89 = arith.constant 0 : i32
        %dma_start3A_90 = tpu.memref_slice %arg3[%run_scoped3A_53, %add3A_52, %dma_start3A_89] : memref<2x5000x64xi32, #tpu.memory_space<hbm>> -> memref<1x40x64xi32, #tpu.memory_space<hbm>>
        %dma_start3A_91 = tpu.memref_squeeze %dma_start3A_90 : memref<1x40x64xi32, #tpu.memory_space<hbm>> -> memref<40x64xi32, #tpu.memory_space<hbm>>
        tpu.enqueue_dma source(%dma_start3A_91 : memref<40x64xi32, #tpu.memory_space<hbm>>) target(%arg7 : memref<40x64xi32, #tpu.memory_space<vmem>>) target_semaphore(%run_scoped3A_85 : memref<!tpu.dma_semaphore, #tpu.memory_space<semaphore_mem>>)
        %dma_wait3A_92 = arith.constant 0 : i32
        %dma_wait3A_93 = tpu.memref_slice %arg3[%run_scoped3A_53, %add3A_52, %dma_wait3A_92] : memref<2x5000x64xi32, #tpu.memory_space<hbm>> -> memref<1x40x64xi32, #tpu.memory_space<hbm>>
        %dma_wait3A_94 = tpu.memref_squeeze %dma_wait3A_93 : memref<1x40x64xi32, #tpu.memory_space<hbm>> -> memref<40x64xi32, #tpu.memory_space<hbm>>
        %dma_wait3A_95 = arith.constant 0 : i32
        %dma_wait3A_96 = tpu.memref_slice %arg3[%run_scoped3A_53, %add3A_52, %dma_wait3A_95] : memref<2x5000x64xi32, #tpu.memory_space<hbm>> -> memref<1x40x64xi32, #tpu.memory_space<hbm>>
        %dma_wait3A_97 = tpu.memref_squeeze %dma_wait3A_96 : memref<1x40x64xi32, #tpu.memory_space<hbm>> -> memref<40x64xi32, #tpu.memory_space<hbm>>
        tpu.wait_dma2 semaphore(%run_scoped3A_85 : memref<!tpu.dma_semaphore, #tpu.memory_space<semaphore_mem>>) src(%dma_wait3A_97 : memref<40x64xi32, #tpu.memory_space<hbm>>) dst(%arg7 : memref<40x64xi32, #tpu.memory_space<vmem>>)
        tpu.yield
      }) : () -> ()
      %run_scoped3A_54 = arith.constant 1 : i32
      "tpu.region"() ({
        %run_scoped3A_85 = tpu.sem_alloc : memref<!tpu.dma_semaphore, #tpu.memory_space<semaphore_mem>>
        %dma_start3A_86 = arith.constant 0 : i32
        %dma_start3A_87 = tpu.memref_slice %arg3[%run_scoped3A_54, %add3A_52, %dma_start3A_86] : memref<2x5000x64xi32, #tpu.memory_space<hbm>> -> memref<1x40x64xi32, #tpu.memory_space<hbm>>
        %dma_start3A_88 = tpu.memref_squeeze %dma_start3A_87 : memref<1x40x64xi32, #tpu.memory_space<hbm>> -> memref<40x64xi32, #tpu.memory_space<hbm>>
        %dma_start3A_89 = arith.constant 0 : i32
        %dma_start3A_90 = tpu.memref_slice %arg3[%run_scoped3A_54, %add3A_52, %dma_start3A_89] : memref<2x5000x64xi32, #tpu.memory_space<hbm>> -> memref<1x40x64xi32, #tpu.memory_space<hbm>>
        %dma_start3A_91 = tpu.memref_squeeze %dma_start3A_90 : memref<1x40x64xi32, #tpu.memory_space<hbm>> -> memref<40x64xi32, #tpu.memory_space<hbm>>
        tpu.enqueue_dma source(%dma_start3A_91 : memref<40x64xi32, #tpu.memory_space<hbm>>) target(%arg8 : memref<40x64xi32, #tpu.memory_space<vmem>>) target_semaphore(%run_scoped3A_85 : memref<!tpu.dma_semaphore, #tpu.memory_space<semaphore_mem>>)
        %dma_wait3A_92 = arith.constant 0 : i32
        %dma_wait3A_93 = tpu.memref_slice %arg3[%run_scoped3A_54, %add3A_52, %dma_wait3A_92] : memref<2x5000x64xi32, #tpu.memory_space<hbm>> -> memref<1x40x64xi32, #tpu.memory_space<hbm>>
        %dma_wait3A_94 = tpu.memref_squeeze %dma_wait3A_93 : memref<1x40x64xi32, #tpu.memory_space<hbm>> -> memref<40x64xi32, #tpu.memory_space<hbm>>
        %dma_wait3A_95 = arith.constant 0 : i32
        %dma_wait3A_96 = tpu.memref_slice %arg3[%run_scoped3A_54, %add3A_52, %dma_wait3A_95] : memref<2x5000x64xi32, #tpu.memory_space<hbm>> -> memref<1x40x64xi32, #tpu.memory_space<hbm>>
        %dma_wait3A_97 = tpu.memref_squeeze %dma_wait3A_96 : memref<1x40x64xi32, #tpu.memory_space<hbm>> -> memref<40x64xi32, #tpu.memory_space<hbm>>
        tpu.wait_dma2 semaphore(%run_scoped3A_85 : memref<!tpu.dma_semaphore, #tpu.memory_space<semaphore_mem>>) src(%dma_wait3A_97 : memref<40x64xi32, #tpu.memory_space<hbm>>) dst(%arg8 : memref<40x64xi32, #tpu.memory_space<vmem>>)
        tpu.yield
      }) : () -> ()
      %dma_start3A_55 = arith.constant 0 : i32
      %dma_start3A_56 = arith.constant 0 : i32
      %dma_start3A_57 = tpu.memref_slice %arg7[%dma_start3A_55, %dma_start3A_56] : memref<40x64xi32, #tpu.memory_space<vmem>> -> memref<1x64xi32, #tpu.memory_space<vmem>>
      %dma_start3A_58 = tpu.memref_squeeze %dma_start3A_57 : memref<1x64xi32, #tpu.memory_space<vmem>> -> memref<64xi32, #tpu.memory_space<vmem>>
      %dma_start3A_59 = arith.constant 0 : i32
      %dma_start3A_60 = arith.constant 0 : i32
      %dma_start3A_61 = tpu.memref_slice %arg2[%dma_start3A_59, %dma_start3A_60] : memref<10000x128xf32, #tpu.memory_space<hbm>> -> memref<10000x128xf32, #tpu.memory_space<hbm>>
      tpu.enqueue_indirect_dma source(%dma_start3A_61 : memref<10000x128xf32, #tpu.memory_space<hbm>>) target(%arg9 : memref<64x128xf32, #tpu.memory_space<vmem>>) offsets(%dma_start3A_58 : memref<64xi32, #tpu.memory_space<vmem>>) semaphore(%arg13 : memref<!tpu.dma_semaphore, #tpu.memory_space<semaphore_mem>>)
      %dma_start3A_62 = arith.constant 1 : i32
      %dma_start3A_63 = arith.constant 0 : i32
      %dma_start3A_64 = tpu.memref_slice %arg7[%dma_start3A_62, %dma_start3A_63] : memref<40x64xi32, #tpu.memory_space<vmem>> -> memref<1x64xi32, #tpu.memory_space<vmem>>
      %dma_start3A_65 = tpu.memref_squeeze %dma_start3A_64 : memref<1x64xi32, #tpu.memory_space<vmem>> -> memref<64xi32, #tpu.memory_space<vmem>>
      %dma_start3A_66 = arith.constant 0 : i32
      %dma_start3A_67 = arith.constant 0 : i32
      %dma_start3A_68 = tpu.memref_slice %arg2[%dma_start3A_66, %dma_start3A_67] : memref<10000x128xf32, #tpu.memory_space<hbm>> -> memref<10000x128xf32, #tpu.memory_space<hbm>>
      tpu.enqueue_indirect_dma source(%dma_start3A_68 : memref<10000x128xf32, #tpu.memory_space<hbm>>) target(%arg10 : memref<64x128xf32, #tpu.memory_space<vmem>>) offsets(%dma_start3A_65 : memref<64xi32, #tpu.memory_space<vmem>>) semaphore(%arg14 : memref<!tpu.dma_semaphore, #tpu.memory_space<semaphore_mem>>)
      %scan3A = arith.constant 0 : i32
      %scan3A_69 = arith.constant 10 : i32
      %scan3A_70 = arith.addi %scan3A, %scan3A_69 : i32
      %scan3A_71 = arith.constant 1 : i32
      scf.for %scan3A_85 = %scan3A to %scan3A_70 step %scan3A_71  : i32 {
        %mul3A_86 = arith.constant 4 : i32
        %mul3A_87 = arith.muli %scan3A_85, %mul3A_86 : i32
        %add3A_88 = arith.constant 0 : i32
        %add3A_89 = arith.addi %add3A_88, %mul3A_87 : i32
        %add3A_90 = arith.constant 0 : i32
        %add3A_91 = arith.addi %add3A_89, %add3A_90 : i32
        %ge3A = arith.constant 2 : i32
        %ge3A_92 = arith.cmpi sge, %add3A_91, %ge3A : i32
        %convert_element_type3A_93 = arith.extui %ge3A_92 : i1 to i32
        %cond3A_94 = arith.constant 0 : i32
        %cond3A_95 = arith.cmpi ne, %convert_element_type3A_93, %cond3A_94 : i32
        scf.if %cond3A_95 {
          %dma_wait3A_192 = arith.constant 0 : i32
          %dma_wait3A_193 = arith.constant 0 : i32
          %dma_wait3A_194 = tpu.memref_slice %arg6[%dma_wait3A_192, %dma_wait3A_193] : memref<10112x128xf32, #tpu.memory_space<vmem_shared>> -> memref<64x128xf32, #tpu.memory_space<vmem_shared>>
          %dma_wait3A_195 = arith.constant 0 : i32
          %dma_wait3A_196 = arith.constant 0 : i32
          %dma_wait3A_197 = tpu.memref_slice %arg6[%dma_wait3A_195, %dma_wait3A_196] : memref<10112x128xf32, #tpu.memory_space<vmem_shared>> -> memref<64x128xf32, #tpu.memory_space<vmem_shared>>
          tpu.wait_dma2 semaphore(%arg19 : memref<!tpu.dma_semaphore, #tpu.memory_space<semaphore_mem>>) src(%arg11 : memref<64x128xf32, #tpu.memory_space<vmem>>) dst(%dma_wait3A_197 : memref<64x128xf32, #tpu.memory_space<vmem_shared>>)
        } else {
        }
        %add3A_96 = arith.constant 2 : i32
        %add3A_97 = arith.addi %add3A_91, %add3A_96 : i32
        %lt3A = arith.constant 40 : i32
        %lt3A_98 = arith.cmpi slt, %add3A_97, %lt3A : i32
        %convert_element_type3A_99 = arith.extui %lt3A_98 : i1 to i32
        %cond3A_100 = arith.constant 0 : i32
        %cond3A_101 = arith.cmpi ne, %convert_element_type3A_99, %cond3A_100 : i32
        scf.if %cond3A_101 {
          %add3A_192 = arith.constant 2 : i32
          %add3A_193 = arith.addi %add3A_91, %add3A_192 : i32
          %dma_start3A_194 = arith.constant 0 : i32
          %dma_start3A_195 = tpu.memref_slice %arg7[%add3A_193, %dma_start3A_194] : memref<40x64xi32, #tpu.memory_space<vmem>> -> memref<1x64xi32, #tpu.memory_space<vmem>>
          %dma_start3A_196 = tpu.memref_squeeze %dma_start3A_195 : memref<1x64xi32, #tpu.memory_space<vmem>> -> memref<64xi32, #tpu.memory_space<vmem>>
          %dma_start3A_197 = arith.constant 0 : i32
          %dma_start3A_198 = arith.constant 0 : i32
          %dma_start3A_199 = tpu.memref_slice %arg2[%dma_start3A_197, %dma_start3A_198] : memref<10000x128xf32, #tpu.memory_space<hbm>> -> memref<10000x128xf32, #tpu.memory_space<hbm>>
          tpu.enqueue_indirect_dma source(%dma_start3A_199 : memref<10000x128xf32, #tpu.memory_space<hbm>>) target(%arg11 : memref<64x128xf32, #tpu.memory_space<vmem>>) offsets(%dma_start3A_196 : memref<64xi32, #tpu.memory_space<vmem>>) semaphore(%arg15 : memref<!tpu.dma_semaphore, #tpu.memory_space<semaphore_mem>>)
        } else {
        }
        %dma_wait3A_102 = arith.constant 0 : i32
        %dma_wait3A_103 = arith.constant 0 : i32
        %dma_wait3A_104 = tpu.memref_slice %arg2[%dma_wait3A_102, %dma_wait3A_103] : memref<10000x128xf32, #tpu.memory_space<hbm>> -> memref<64x128xf32, #tpu.memory_space<hbm>>
        %dma_wait3A_105 = arith.constant 0 : i32
        %dma_wait3A_106 = arith.constant 0 : i32
        %dma_wait3A_107 = tpu.memref_slice %arg2[%dma_wait3A_105, %dma_wait3A_106] : memref<10000x128xf32, #tpu.memory_space<hbm>> -> memref<64x128xf32, #tpu.memory_space<hbm>>
        tpu.wait_dma2 semaphore(%arg13 : memref<!tpu.dma_semaphore, #tpu.memory_space<semaphore_mem>>) src(%dma_wait3A_107 : memref<64x128xf32, #tpu.memory_space<hbm>>) dst(%arg9 : memref<64x128xf32, #tpu.memory_space<vmem>>)
        %dma_start3A_108 = arith.constant 0 : i32
        %dma_start3A_109 = tpu.memref_slice %arg8[%add3A_91, %dma_start3A_108] : memref<40x64xi32, #tpu.memory_space<vmem>> -> memref<1x64xi32, #tpu.memory_space<vmem>>
        %dma_start3A_110 = tpu.memref_squeeze %dma_start3A_109 : memref<1x64xi32, #tpu.memory_space<vmem>> -> memref<64xi32, #tpu.memory_space<vmem>>
        %dma_start3A_111 = arith.constant 0 : i32
        %dma_start3A_112 = arith.constant 0 : i32
        %dma_start3A_113 = tpu.memref_slice %arg6[%dma_start3A_111, %dma_start3A_112] : memref<10112x128xf32, #tpu.memory_space<vmem_shared>> -> memref<10112x128xf32, #tpu.memory_space<vmem_shared>>
        tpu.enqueue_indirect_dma source(%arg9 : memref<64x128xf32, #tpu.memory_space<vmem>>) target(%dma_start3A_113 : memref<10112x128xf32, #tpu.memory_space<vmem_shared>>) offsets(%dma_start3A_110 : memref<64xi32, #tpu.memory_space<vmem>>) semaphore(%arg17 : memref<!tpu.dma_semaphore, #tpu.memory_space<semaphore_mem>>) {add = true}
        %add3A_114 = arith.constant 1 : i32
        %add3A_115 = arith.addi %add3A_89, %add3A_114 : i32
        %ge3A_116 = arith.constant 2 : i32
        %ge3A_117 = arith.cmpi sge, %add3A_115, %ge3A_116 : i32
        %convert_element_type3A_118 = arith.extui %ge3A_117 : i1 to i32
        %cond3A_119 = arith.constant 0 : i32
        %cond3A_120 = arith.cmpi ne, %convert_element_type3A_118, %cond3A_119 : i32
        scf.if %cond3A_120 {
          %dma_wait3A_192 = arith.constant 0 : i32
          %dma_wait3A_193 = arith.constant 0 : i32
          %dma_wait3A_194 = tpu.memref_slice %arg6[%dma_wait3A_192, %dma_wait3A_193] : memref<10112x128xf32, #tpu.memory_space<vmem_shared>> -> memref<64x128xf32, #tpu.memory_space<vmem_shared>>
          %dma_wait3A_195 = arith.constant 0 : i32
          %dma_wait3A_196 = arith.constant 0 : i32
          %dma_wait3A_197 = tpu.memref_slice %arg6[%dma_wait3A_195, %dma_wait3A_196] : memref<10112x128xf32, #tpu.memory_space<vmem_shared>> -> memref<64x128xf32, #tpu.memory_space<vmem_shared>>
          tpu.wait_dma2 semaphore(%arg20 : memref<!tpu.dma_semaphore, #tpu.memory_space<semaphore_mem>>) src(%arg12 : memref<64x128xf32, #tpu.memory_space<vmem>>) dst(%dma_wait3A_197 : memref<64x128xf32, #tpu.memory_space<vmem_shared>>)
        } else {
        }
        %add3A_121 = arith.constant 2 : i32
        %add3A_122 = arith.addi %add3A_115, %add3A_121 : i32
        %lt3A_123 = arith.constant 40 : i32
        %lt3A_124 = arith.cmpi slt, %add3A_122, %lt3A_123 : i32
        %convert_element_type3A_125 = arith.extui %lt3A_124 : i1 to i32
        %cond3A_126 = arith.constant 0 : i32
        %cond3A_127 = arith.cmpi ne, %convert_element_type3A_125, %cond3A_126 : i32
        scf.if %cond3A_127 {
          %add3A_192 = arith.constant 2 : i32
          %add3A_193 = arith.addi %add3A_115, %add3A_192 : i32
          %dma_start3A_194 = arith.constant 0 : i32
          %dma_start3A_195 = tpu.memref_slice %arg7[%add3A_193, %dma_start3A_194] : memref<40x64xi32, #tpu.memory_space<vmem>> -> memref<1x64xi32, #tpu.memory_space<vmem>>
          %dma_start3A_196 = tpu.memref_squeeze %dma_start3A_195 : memref<1x64xi32, #tpu.memory_space<vmem>> -> memref<64xi32, #tpu.memory_space<vmem>>
          %dma_start3A_197 = arith.constant 0 : i32
          %dma_start3A_198 = arith.constant 0 : i32
          %dma_start3A_199 = tpu.memref_slice %arg2[%dma_start3A_197, %dma_start3A_198] : memref<10000x128xf32, #tpu.memory_space<hbm>> -> memref<10000x128xf32, #tpu.memory_space<hbm>>
          tpu.enqueue_indirect_dma source(%dma_start3A_199 : memref<10000x128xf32, #tpu.memory_space<hbm>>) target(%arg12 : memref<64x128xf32, #tpu.memory_space<vmem>>) offsets(%dma_start3A_196 : memref<64xi32, #tpu.memory_space<vmem>>) semaphore(%arg16 : memref<!tpu.dma_semaphore, #tpu.memory_space<semaphore_mem>>)
        } else {
        }
        %dma_wait3A_128 = arith.constant 0 : i32
        %dma_wait3A_129 = arith.constant 0 : i32
        %dma_wait3A_130 = tpu.memref_slice %arg2[%dma_wait3A_128, %dma_wait3A_129] : memref<10000x128xf32, #tpu.memory_space<hbm>> -> memref<64x128xf32, #tpu.memory_space<hbm>>
        %dma_wait3A_131 = arith.constant 0 : i32
        %dma_wait3A_132 = arith.constant 0 : i32
        %dma_wait3A_133 = tpu.memref_slice %arg2[%dma_wait3A_131, %dma_wait3A_132] : memref<10000x128xf32, #tpu.memory_space<hbm>> -> memref<64x128xf32, #tpu.memory_space<hbm>>
        tpu.wait_dma2 semaphore(%arg14 : memref<!tpu.dma_semaphore, #tpu.memory_space<semaphore_mem>>) src(%dma_wait3A_133 : memref<64x128xf32, #tpu.memory_space<hbm>>) dst(%arg10 : memref<64x128xf32, #tpu.memory_space<vmem>>)
        %dma_start3A_134 = arith.constant 0 : i32
        %dma_start3A_135 = tpu.memref_slice %arg8[%add3A_115, %dma_start3A_134] : memref<40x64xi32, #tpu.memory_space<vmem>> -> memref<1x64xi32, #tpu.memory_space<vmem>>
        %dma_start3A_136 = tpu.memref_squeeze %dma_start3A_135 : memref<1x64xi32, #tpu.memory_space<vmem>> -> memref<64xi32, #tpu.memory_space<vmem>>
        %dma_start3A_137 = arith.constant 0 : i32
        %dma_start3A_138 = arith.constant 0 : i32
        %dma_start3A_139 = tpu.memref_slice %arg6[%dma_start3A_137, %dma_start3A_138] : memref<10112x128xf32, #tpu.memory_space<vmem_shared>> -> memref<10112x128xf32, #tpu.memory_space<vmem_shared>>
        tpu.enqueue_indirect_dma source(%arg10 : memref<64x128xf32, #tpu.memory_space<vmem>>) target(%dma_start3A_139 : memref<10112x128xf32, #tpu.memory_space<vmem_shared>>) offsets(%dma_start3A_136 : memref<64xi32, #tpu.memory_space<vmem>>) semaphore(%arg18 : memref<!tpu.dma_semaphore, #tpu.memory_space<semaphore_mem>>) {add = true}
        %add3A_140 = arith.constant 2 : i32
        %add3A_141 = arith.addi %add3A_89, %add3A_140 : i32
        %ge3A_142 = arith.constant 2 : i32
        %ge3A_143 = arith.cmpi sge, %add3A_141, %ge3A_142 : i32
        %convert_element_type3A_144 = arith.extui %ge3A_143 : i1 to i32
        %cond3A_145 = arith.constant 0 : i32
        %cond3A_146 = arith.cmpi ne, %convert_element_type3A_144, %cond3A_145 : i32
        scf.if %cond3A_146 {
          %dma_wait3A_192 = arith.constant 0 : i32
          %dma_wait3A_193 = arith.constant 0 : i32
          %dma_wait3A_194 = tpu.memref_slice %arg6[%dma_wait3A_192, %dma_wait3A_193] : memref<10112x128xf32, #tpu.memory_space<vmem_shared>> -> memref<64x128xf32, #tpu.memory_space<vmem_shared>>
          %dma_wait3A_195 = arith.constant 0 : i32
          %dma_wait3A_196 = arith.constant 0 : i32
          %dma_wait3A_197 = tpu.memref_slice %arg6[%dma_wait3A_195, %dma_wait3A_196] : memref<10112x128xf32, #tpu.memory_space<vmem_shared>> -> memref<64x128xf32, #tpu.memory_space<vmem_shared>>
          tpu.wait_dma2 semaphore(%arg17 : memref<!tpu.dma_semaphore, #tpu.memory_space<semaphore_mem>>) src(%arg9 : memref<64x128xf32, #tpu.memory_space<vmem>>) dst(%dma_wait3A_197 : memref<64x128xf32, #tpu.memory_space<vmem_shared>>)
        } else {
        }
        %add3A_147 = arith.constant 2 : i32
        %add3A_148 = arith.addi %add3A_141, %add3A_147 : i32
        %lt3A_149 = arith.constant 40 : i32
        %lt3A_150 = arith.cmpi slt, %add3A_148, %lt3A_149 : i32
        %convert_element_type3A_151 = arith.extui %lt3A_150 : i1 to i32
        %cond3A_152 = arith.constant 0 : i32
        %cond3A_153 = arith.cmpi ne, %convert_element_type3A_151, %cond3A_152 : i32
        scf.if %cond3A_153 {
          %add3A_192 = arith.constant 2 : i32
          %add3A_193 = arith.addi %add3A_141, %add3A_192 : i32
          %dma_start3A_194 = arith.constant 0 : i32
          %dma_start3A_195 = tpu.memref_slice %arg7[%add3A_193, %dma_start3A_194] : memref<40x64xi32, #tpu.memory_space<vmem>> -> memref<1x64xi32, #tpu.memory_space<vmem>>
          %dma_start3A_196 = tpu.memref_squeeze %dma_start3A_195 : memref<1x64xi32, #tpu.memory_space<vmem>> -> memref<64xi32, #tpu.memory_space<vmem>>
          %dma_start3A_197 = arith.constant 0 : i32
          %dma_start3A_198 = arith.constant 0 : i32
          %dma_start3A_199 = tpu.memref_slice %arg2[%dma_start3A_197, %dma_start3A_198] : memref<10000x128xf32, #tpu.memory_space<hbm>> -> memref<10000x128xf32, #tpu.memory_space<hbm>>
          tpu.enqueue_indirect_dma source(%dma_start3A_199 : memref<10000x128xf32, #tpu.memory_space<hbm>>) target(%arg9 : memref<64x128xf32, #tpu.memory_space<vmem>>) offsets(%dma_start3A_196 : memref<64xi32, #tpu.memory_space<vmem>>) semaphore(%arg13 : memref<!tpu.dma_semaphore, #tpu.memory_space<semaphore_mem>>)
        } else {
        }
        %dma_wait3A_154 = arith.constant 0 : i32
        %dma_wait3A_155 = arith.constant 0 : i32
        %dma_wait3A_156 = tpu.memref_slice %arg2[%dma_wait3A_154, %dma_wait3A_155] : memref<10000x128xf32, #tpu.memory_space<hbm>> -> memref<64x128xf32, #tpu.memory_space<hbm>>
        %dma_wait3A_157 = arith.constant 0 : i32
        %dma_wait3A_158 = arith.constant 0 : i32
        %dma_wait3A_159 = tpu.memref_slice %arg2[%dma_wait3A_157, %dma_wait3A_158] : memref<10000x128xf32, #tpu.memory_space<hbm>> -> memref<64x128xf32, #tpu.memory_space<hbm>>
        tpu.wait_dma2 semaphore(%arg15 : memref<!tpu.dma_semaphore, #tpu.memory_space<semaphore_mem>>) src(%dma_wait3A_159 : memref<64x128xf32, #tpu.memory_space<hbm>>) dst(%arg11 : memref<64x128xf32, #tpu.memory_space<vmem>>)
        %dma_start3A_160 = arith.constant 0 : i32
        %dma_start3A_161 = tpu.memref_slice %arg8[%add3A_141, %dma_start3A_160] : memref<40x64xi32, #tpu.memory_space<vmem>> -> memref<1x64xi32, #tpu.memory_space<vmem>>
        %dma_start3A_162 = tpu.memref_squeeze %dma_start3A_161 : memref<1x64xi32, #tpu.memory_space<vmem>> -> memref<64xi32, #tpu.memory_space<vmem>>
        %dma_start3A_163 = arith.constant 0 : i32
        %dma_start3A_164 = arith.constant 0 : i32
        %dma_start3A_165 = tpu.memref_slice %arg6[%dma_start3A_163, %dma_start3A_164] : memref<10112x128xf32, #tpu.memory_space<vmem_shared>> -> memref<10112x128xf32, #tpu.memory_space<vmem_shared>>
        tpu.enqueue_indirect_dma source(%arg11 : memref<64x128xf32, #tpu.memory_space<vmem>>) target(%dma_start3A_165 : memref<10112x128xf32, #tpu.memory_space<vmem_shared>>) offsets(%dma_start3A_162 : memref<64xi32, #tpu.memory_space<vmem>>) semaphore(%arg19 : memref<!tpu.dma_semaphore, #tpu.memory_space<semaphore_mem>>) {add = true}
        %add3A_166 = arith.constant 3 : i32
        %add3A_167 = arith.addi %add3A_89, %add3A_166 : i32
        %ge3A_168 = arith.constant 2 : i32
        %ge3A_169 = arith.cmpi sge, %add3A_167, %ge3A_168 : i32
        %convert_element_type3A_170 = arith.extui %ge3A_169 : i1 to i32
        %cond3A_171 = arith.constant 0 : i32
        %cond3A_172 = arith.cmpi ne, %convert_element_type3A_170, %cond3A_171 : i32
        scf.if %cond3A_172 {
          %dma_wait3A_192 = arith.constant 0 : i32
          %dma_wait3A_193 = arith.constant 0 : i32
          %dma_wait3A_194 = tpu.memref_slice %arg6[%dma_wait3A_192, %dma_wait3A_193] : memref<10112x128xf32, #tpu.memory_space<vmem_shared>> -> memref<64x128xf32, #tpu.memory_space<vmem_shared>>
          %dma_wait3A_195 = arith.constant 0 : i32
          %dma_wait3A_196 = arith.constant 0 : i32
          %dma_wait3A_197 = tpu.memref_slice %arg6[%dma_wait3A_195, %dma_wait3A_196] : memref<10112x128xf32, #tpu.memory_space<vmem_shared>> -> memref<64x128xf32, #tpu.memory_space<vmem_shared>>
          tpu.wait_dma2 semaphore(%arg18 : memref<!tpu.dma_semaphore, #tpu.memory_space<semaphore_mem>>) src(%arg10 : memref<64x128xf32, #tpu.memory_space<vmem>>) dst(%dma_wait3A_197 : memref<64x128xf32, #tpu.memory_space<vmem_shared>>)
        } else {
        }
        %add3A_173 = arith.constant 2 : i32
        %add3A_174 = arith.addi %add3A_167, %add3A_173 : i32
        %lt3A_175 = arith.constant 40 : i32
        %lt3A_176 = arith.cmpi slt, %add3A_174, %lt3A_175 : i32
        %convert_element_type3A_177 = arith.extui %lt3A_176 : i1 to i32
        %cond3A_178 = arith.constant 0 : i32
        %cond3A_179 = arith.cmpi ne, %convert_element_type3A_177, %cond3A_178 : i32
        scf.if %cond3A_179 {
          %add3A_192 = arith.constant 2 : i32
          %add3A_193 = arith.addi %add3A_167, %add3A_192 : i32
          %dma_start3A_194 = arith.constant 0 : i32
          %dma_start3A_195 = tpu.memref_slice %arg7[%add3A_193, %dma_start3A_194] : memref<40x64xi32, #tpu.memory_space<vmem>> -> memref<1x64xi32, #tpu.memory_space<vmem>>
          %dma_start3A_196 = tpu.memref_squeeze %dma_start3A_195 : memref<1x64xi32, #tpu.memory_space<vmem>> -> memref<64xi32, #tpu.memory_space<vmem>>
          %dma_start3A_197 = arith.constant 0 : i32
          %dma_start3A_198 = arith.constant 0 : i32
          %dma_start3A_199 = tpu.memref_slice %arg2[%dma_start3A_197, %dma_start3A_198] : memref<10000x128xf32, #tpu.memory_space<hbm>> -> memref<10000x128xf32, #tpu.memory_space<hbm>>
          tpu.enqueue_indirect_dma source(%dma_start3A_199 : memref<10000x128xf32, #tpu.memory_space<hbm>>) target(%arg10 : memref<64x128xf32, #tpu.memory_space<vmem>>) offsets(%dma_start3A_196 : memref<64xi32, #tpu.memory_space<vmem>>) semaphore(%arg14 : memref<!tpu.dma_semaphore, #tpu.memory_space<semaphore_mem>>)
        } else {
        }
        %dma_wait3A_180 = arith.constant 0 : i32
        %dma_wait3A_181 = arith.constant 0 : i32
        %dma_wait3A_182 = tpu.memref_slice %arg2[%dma_wait3A_180, %dma_wait3A_181] : memref<10000x128xf32, #tpu.memory_space<hbm>> -> memref<64x128xf32, #tpu.memory_space<hbm>>
        %dma_wait3A_183 = arith.constant 0 : i32
        %dma_wait3A_184 = arith.constant 0 : i32
        %dma_wait3A_185 = tpu.memref_slice %arg2[%dma_wait3A_183, %dma_wait3A_184] : memref<10000x128xf32, #tpu.memory_space<hbm>> -> memref<64x128xf32, #tpu.memory_space<hbm>>
        tpu.wait_dma2 semaphore(%arg16 : memref<!tpu.dma_semaphore, #tpu.memory_space<semaphore_mem>>) src(%dma_wait3A_185 : memref<64x128xf32, #tpu.memory_space<hbm>>) dst(%arg12 : memref<64x128xf32, #tpu.memory_space<vmem>>)
        %dma_start3A_186 = arith.constant 0 : i32
        %dma_start3A_187 = tpu.memref_slice %arg8[%add3A_167, %dma_start3A_186] : memref<40x64xi32, #tpu.memory_space<vmem>> -> memref<1x64xi32, #tpu.memory_space<vmem>>
        %dma_start3A_188 = tpu.memref_squeeze %dma_start3A_187 : memref<1x64xi32, #tpu.memory_space<vmem>> -> memref<64xi32, #tpu.memory_space<vmem>>
        %dma_start3A_189 = arith.constant 0 : i32
        %dma_start3A_190 = arith.constant 0 : i32
        %dma_start3A_191 = tpu.memref_slice %arg6[%dma_start3A_189, %dma_start3A_190] : memref<10112x128xf32, #tpu.memory_space<vmem_shared>> -> memref<10112x128xf32, #tpu.memory_space<vmem_shared>>
        tpu.enqueue_indirect_dma source(%arg12 : memref<64x128xf32, #tpu.memory_space<vmem>>) target(%dma_start3A_191 : memref<10112x128xf32, #tpu.memory_space<vmem_shared>>) offsets(%dma_start3A_188 : memref<64xi32, #tpu.memory_space<vmem>>) semaphore(%arg20 : memref<!tpu.dma_semaphore, #tpu.memory_space<semaphore_mem>>) {add = true}
      }
      %scan3A_72 = arith.constant 10 : i32
      %dma_wait3A_73 = arith.constant 0 : i32
      %dma_wait3A_74 = arith.constant 0 : i32
      %dma_wait3A_75 = tpu.memref_slice %arg6[%dma_wait3A_73, %dma_wait3A_74] : memref<10112x128xf32, #tpu.memory_space<vmem_shared>> -> memref<64x128xf32, #tpu.memory_space<vmem_shared>>
      %dma_wait3A_76 = arith.constant 0 : i32
      %dma_wait3A_77 = arith.constant 0 : i32
      %dma_wait3A_78 = tpu.memref_slice %arg6[%dma_wait3A_76, %dma_wait3A_77] : memref<10112x128xf32, #tpu.memory_space<vmem_shared>> -> memref<64x128xf32, #tpu.memory_space<vmem_shared>>
      tpu.wait_dma2 semaphore(%arg19 : memref<!tpu.dma_semaphore, #tpu.memory_space<semaphore_mem>>) src(%arg11 : memref<64x128xf32, #tpu.memory_space<vmem>>) dst(%dma_wait3A_78 : memref<64x128xf32, #tpu.memory_space<vmem_shared>>)
      %dma_wait3A_79 = arith.constant 0 : i32
      %dma_wait3A_80 = arith.constant 0 : i32
      %dma_wait3A_81 = tpu.memref_slice %arg6[%dma_wait3A_79, %dma_wait3A_80] : memref<10112x128xf32, #tpu.memory_space<vmem_shared>> -> memref<64x128xf32, #tpu.memory_space<vmem_shared>>
      %dma_wait3A_82 = arith.constant 0 : i32
      %dma_wait3A_83 = arith.constant 0 : i32
      %dma_wait3A_84 = tpu.memref_slice %arg6[%dma_wait3A_82, %dma_wait3A_83] : memref<10112x128xf32, #tpu.memory_space<vmem_shared>> -> memref<64x128xf32, #tpu.memory_space<vmem_shared>>
      tpu.wait_dma2 semaphore(%arg20 : memref<!tpu.dma_semaphore, #tpu.memory_space<semaphore_mem>>) src(%arg12 : memref<64x128xf32, #tpu.memory_space<vmem>>) dst(%dma_wait3A_84 : memref<64x128xf32, #tpu.memory_space<vmem_shared>>)
    } else {
    }
    %gt3A_39 = arith.constant 3 : i32
    %gt3A_40 = arith.cmpi sgt, %select_n3A_3, %gt3A_39 : i32
    %convert_element_type3A_41 = arith.extui %gt3A_40 : i1 to i32
    %cond3A_42 = arith.constant 0 : i32
    %cond3A_43 = arith.cmpi ne, %convert_element_type3A_41, %cond3A_42 : i32
    scf.if %cond3A_43 {
      %mul3A_49 = arith.constant 160 : i32
      %mul3A_50 = arith.muli %add3A, %mul3A_49 : i32
      %add3A_51 = arith.constant 120 : i32
      %add3A_52 = arith.addi %mul3A_50, %add3A_51 : i32
      %run_scoped3A_53 = arith.constant 0 : i32
      "tpu.region"() ({
        %run_scoped3A_85 = tpu.sem_alloc : memref<!tpu.dma_semaphore, #tpu.memory_space<semaphore_mem>>
        %dma_start3A_86 = arith.constant 0 : i32
        %dma_start3A_87 = tpu.memref_slice %arg3[%run_scoped3A_53, %add3A_52, %dma_start3A_86] : memref<2x5000x64xi32, #tpu.memory_space<hbm>> -> memref<1x40x64xi32, #tpu.memory_space<hbm>>
        %dma_start3A_88 = tpu.memref_squeeze %dma_start3A_87 : memref<1x40x64xi32, #tpu.memory_space<hbm>> -> memref<40x64xi32, #tpu.memory_space<hbm>>
        %dma_start3A_89 = arith.constant 0 : i32
        %dma_start3A_90 = tpu.memref_slice %arg3[%run_scoped3A_53, %add3A_52, %dma_start3A_89] : memref<2x5000x64xi32, #tpu.memory_space<hbm>> -> memref<1x40x64xi32, #tpu.memory_space<hbm>>
        %dma_start3A_91 = tpu.memref_squeeze %dma_start3A_90 : memref<1x40x64xi32, #tpu.memory_space<hbm>> -> memref<40x64xi32, #tpu.memory_space<hbm>>
        tpu.enqueue_dma source(%dma_start3A_91 : memref<40x64xi32, #tpu.memory_space<hbm>>) target(%arg7 : memref<40x64xi32, #tpu.memory_space<vmem>>) target_semaphore(%run_scoped3A_85 : memref<!tpu.dma_semaphore, #tpu.memory_space<semaphore_mem>>)
        %dma_wait3A_92 = arith.constant 0 : i32
        %dma_wait3A_93 = tpu.memref_slice %arg3[%run_scoped3A_53, %add3A_52, %dma_wait3A_92] : memref<2x5000x64xi32, #tpu.memory_space<hbm>> -> memref<1x40x64xi32, #tpu.memory_space<hbm>>
        %dma_wait3A_94 = tpu.memref_squeeze %dma_wait3A_93 : memref<1x40x64xi32, #tpu.memory_space<hbm>> -> memref<40x64xi32, #tpu.memory_space<hbm>>
        %dma_wait3A_95 = arith.constant 0 : i32
        %dma_wait3A_96 = tpu.memref_slice %arg3[%run_scoped3A_53, %add3A_52, %dma_wait3A_95] : memref<2x5000x64xi32, #tpu.memory_space<hbm>> -> memref<1x40x64xi32, #tpu.memory_space<hbm>>
        %dma_wait3A_97 = tpu.memref_squeeze %dma_wait3A_96 : memref<1x40x64xi32, #tpu.memory_space<hbm>> -> memref<40x64xi32, #tpu.memory_space<hbm>>
        tpu.wait_dma2 semaphore(%run_scoped3A_85 : memref<!tpu.dma_semaphore, #tpu.memory_space<semaphore_mem>>) src(%dma_wait3A_97 : memref<40x64xi32, #tpu.memory_space<hbm>>) dst(%arg7 : memref<40x64xi32, #tpu.memory_space<vmem>>)
        tpu.yield
      }) : () -> ()
      %run_scoped3A_54 = arith.constant 1 : i32
      "tpu.region"() ({
        %run_scoped3A_85 = tpu.sem_alloc : memref<!tpu.dma_semaphore, #tpu.memory_space<semaphore_mem>>
        %dma_start3A_86 = arith.constant 0 : i32
        %dma_start3A_87 = tpu.memref_slice %arg3[%run_scoped3A_54, %add3A_52, %dma_start3A_86] : memref<2x5000x64xi32, #tpu.memory_space<hbm>> -> memref<1x40x64xi32, #tpu.memory_space<hbm>>
        %dma_start3A_88 = tpu.memref_squeeze %dma_start3A_87 : memref<1x40x64xi32, #tpu.memory_space<hbm>> -> memref<40x64xi32, #tpu.memory_space<hbm>>
        %dma_start3A_89 = arith.constant 0 : i32
        %dma_start3A_90 = tpu.memref_slice %arg3[%run_scoped3A_54, %add3A_52, %dma_start3A_89] : memref<2x5000x64xi32, #tpu.memory_space<hbm>> -> memref<1x40x64xi32, #tpu.memory_space<hbm>>
        %dma_start3A_91 = tpu.memref_squeeze %dma_start3A_90 : memref<1x40x64xi32, #tpu.memory_space<hbm>> -> memref<40x64xi32, #tpu.memory_space<hbm>>
        tpu.enqueue_dma source(%dma_start3A_91 : memref<40x64xi32, #tpu.memory_space<hbm>>) target(%arg8 : memref<40x64xi32, #tpu.memory_space<vmem>>) target_semaphore(%run_scoped3A_85 : memref<!tpu.dma_semaphore, #tpu.memory_space<semaphore_mem>>)
        %dma_wait3A_92 = arith.constant 0 : i32
        %dma_wait3A_93 = tpu.memref_slice %arg3[%run_scoped3A_54, %add3A_52, %dma_wait3A_92] : memref<2x5000x64xi32, #tpu.memory_space<hbm>> -> memref<1x40x64xi32, #tpu.memory_space<hbm>>
        %dma_wait3A_94 = tpu.memref_squeeze %dma_wait3A_93 : memref<1x40x64xi32, #tpu.memory_space<hbm>> -> memref<40x64xi32, #tpu.memory_space<hbm>>
        %dma_wait3A_95 = arith.constant 0 : i32
        %dma_wait3A_96 = tpu.memref_slice %arg3[%run_scoped3A_54, %add3A_52, %dma_wait3A_95] : memref<2x5000x64xi32, #tpu.memory_space<hbm>> -> memref<1x40x64xi32, #tpu.memory_space<hbm>>
        %dma_wait3A_97 = tpu.memref_squeeze %dma_wait3A_96 : memref<1x40x64xi32, #tpu.memory_space<hbm>> -> memref<40x64xi32, #tpu.memory_space<hbm>>
        tpu.wait_dma2 semaphore(%run_scoped3A_85 : memref<!tpu.dma_semaphore, #tpu.memory_space<semaphore_mem>>) src(%dma_wait3A_97 : memref<40x64xi32, #tpu.memory_space<hbm>>) dst(%arg8 : memref<40x64xi32, #tpu.memory_space<vmem>>)
        tpu.yield
      }) : () -> ()
      %dma_start3A_55 = arith.constant 0 : i32
      %dma_start3A_56 = arith.constant 0 : i32
      %dma_start3A_57 = tpu.memref_slice %arg7[%dma_start3A_55, %dma_start3A_56] : memref<40x64xi32, #tpu.memory_space<vmem>> -> memref<1x64xi32, #tpu.memory_space<vmem>>
      %dma_start3A_58 = tpu.memref_squeeze %dma_start3A_57 : memref<1x64xi32, #tpu.memory_space<vmem>> -> memref<64xi32, #tpu.memory_space<vmem>>
      %dma_start3A_59 = arith.constant 0 : i32
      %dma_start3A_60 = arith.constant 0 : i32
      %dma_start3A_61 = tpu.memref_slice %arg2[%dma_start3A_59, %dma_start3A_60] : memref<10000x128xf32, #tpu.memory_space<hbm>> -> memref<10000x128xf32, #tpu.memory_space<hbm>>
      tpu.enqueue_indirect_dma source(%dma_start3A_61 : memref<10000x128xf32, #tpu.memory_space<hbm>>) target(%arg9 : memref<64x128xf32, #tpu.memory_space<vmem>>) offsets(%dma_start3A_58 : memref<64xi32, #tpu.memory_space<vmem>>) semaphore(%arg13 : memref<!tpu.dma_semaphore, #tpu.memory_space<semaphore_mem>>)
      %dma_start3A_62 = arith.constant 1 : i32
      %dma_start3A_63 = arith.constant 0 : i32
      %dma_start3A_64 = tpu.memref_slice %arg7[%dma_start3A_62, %dma_start3A_63] : memref<40x64xi32, #tpu.memory_space<vmem>> -> memref<1x64xi32, #tpu.memory_space<vmem>>
      %dma_start3A_65 = tpu.memref_squeeze %dma_start3A_64 : memref<1x64xi32, #tpu.memory_space<vmem>> -> memref<64xi32, #tpu.memory_space<vmem>>
      %dma_start3A_66 = arith.constant 0 : i32
      %dma_start3A_67 = arith.constant 0 : i32
      %dma_start3A_68 = tpu.memref_slice %arg2[%dma_start3A_66, %dma_start3A_67] : memref<10000x128xf32, #tpu.memory_space<hbm>> -> memref<10000x128xf32, #tpu.memory_space<hbm>>
      tpu.enqueue_indirect_dma source(%dma_start3A_68 : memref<10000x128xf32, #tpu.memory_space<hbm>>) target(%arg10 : memref<64x128xf32, #tpu.memory_space<vmem>>) offsets(%dma_start3A_65 : memref<64xi32, #tpu.memory_space<vmem>>) semaphore(%arg14 : memref<!tpu.dma_semaphore, #tpu.memory_space<semaphore_mem>>)
      %scan3A = arith.constant 0 : i32
      %scan3A_69 = arith.constant 10 : i32
      %scan3A_70 = arith.addi %scan3A, %scan3A_69 : i32
      %scan3A_71 = arith.constant 1 : i32
      scf.for %scan3A_85 = %scan3A to %scan3A_70 step %scan3A_71  : i32 {
        %mul3A_86 = arith.constant 4 : i32
        %mul3A_87 = arith.muli %scan3A_85, %mul3A_86 : i32
        %add3A_88 = arith.constant 0 : i32
        %add3A_89 = arith.addi %add3A_88, %mul3A_87 : i32
        %add3A_90 = arith.constant 0 : i32
        %add3A_91 = arith.addi %add3A_89, %add3A_90 : i32
        %ge3A = arith.constant 2 : i32
        %ge3A_92 = arith.cmpi sge, %add3A_91, %ge3A : i32
        %convert_element_type3A_93 = arith.extui %ge3A_92 : i1 to i32
        %cond3A_94 = arith.constant 0 : i32
        %cond3A_95 = arith.cmpi ne, %convert_element_type3A_93, %cond3A_94 : i32
        scf.if %cond3A_95 {
          %dma_wait3A_192 = arith.constant 0 : i32
          %dma_wait3A_193 = arith.constant 0 : i32
          %dma_wait3A_194 = tpu.memref_slice %arg6[%dma_wait3A_192, %dma_wait3A_193] : memref<10112x128xf32, #tpu.memory_space<vmem_shared>> -> memref<64x128xf32, #tpu.memory_space<vmem_shared>>
          %dma_wait3A_195 = arith.constant 0 : i32
          %dma_wait3A_196 = arith.constant 0 : i32
          %dma_wait3A_197 = tpu.memref_slice %arg6[%dma_wait3A_195, %dma_wait3A_196] : memref<10112x128xf32, #tpu.memory_space<vmem_shared>> -> memref<64x128xf32, #tpu.memory_space<vmem_shared>>
          tpu.wait_dma2 semaphore(%arg19 : memref<!tpu.dma_semaphore, #tpu.memory_space<semaphore_mem>>) src(%arg11 : memref<64x128xf32, #tpu.memory_space<vmem>>) dst(%dma_wait3A_197 : memref<64x128xf32, #tpu.memory_space<vmem_shared>>)
        } else {
        }
        %add3A_96 = arith.constant 2 : i32
        %add3A_97 = arith.addi %add3A_91, %add3A_96 : i32
        %lt3A = arith.constant 40 : i32
        %lt3A_98 = arith.cmpi slt, %add3A_97, %lt3A : i32
        %convert_element_type3A_99 = arith.extui %lt3A_98 : i1 to i32
        %cond3A_100 = arith.constant 0 : i32
        %cond3A_101 = arith.cmpi ne, %convert_element_type3A_99, %cond3A_100 : i32
        scf.if %cond3A_101 {
          %add3A_192 = arith.constant 2 : i32
          %add3A_193 = arith.addi %add3A_91, %add3A_192 : i32
          %dma_start3A_194 = arith.constant 0 : i32
          %dma_start3A_195 = tpu.memref_slice %arg7[%add3A_193, %dma_start3A_194] : memref<40x64xi32, #tpu.memory_space<vmem>> -> memref<1x64xi32, #tpu.memory_space<vmem>>
          %dma_start3A_196 = tpu.memref_squeeze %dma_start3A_195 : memref<1x64xi32, #tpu.memory_space<vmem>> -> memref<64xi32, #tpu.memory_space<vmem>>
          %dma_start3A_197 = arith.constant 0 : i32
          %dma_start3A_198 = arith.constant 0 : i32
          %dma_start3A_199 = tpu.memref_slice %arg2[%dma_start3A_197, %dma_start3A_198] : memref<10000x128xf32, #tpu.memory_space<hbm>> -> memref<10000x128xf32, #tpu.memory_space<hbm>>
          tpu.enqueue_indirect_dma source(%dma_start3A_199 : memref<10000x128xf32, #tpu.memory_space<hbm>>) target(%arg11 : memref<64x128xf32, #tpu.memory_space<vmem>>) offsets(%dma_start3A_196 : memref<64xi32, #tpu.memory_space<vmem>>) semaphore(%arg15 : memref<!tpu.dma_semaphore, #tpu.memory_space<semaphore_mem>>)
        } else {
        }
        %dma_wait3A_102 = arith.constant 0 : i32
        %dma_wait3A_103 = arith.constant 0 : i32
        %dma_wait3A_104 = tpu.memref_slice %arg2[%dma_wait3A_102, %dma_wait3A_103] : memref<10000x128xf32, #tpu.memory_space<hbm>> -> memref<64x128xf32, #tpu.memory_space<hbm>>
        %dma_wait3A_105 = arith.constant 0 : i32
        %dma_wait3A_106 = arith.constant 0 : i32
        %dma_wait3A_107 = tpu.memref_slice %arg2[%dma_wait3A_105, %dma_wait3A_106] : memref<10000x128xf32, #tpu.memory_space<hbm>> -> memref<64x128xf32, #tpu.memory_space<hbm>>
        tpu.wait_dma2 semaphore(%arg13 : memref<!tpu.dma_semaphore, #tpu.memory_space<semaphore_mem>>) src(%dma_wait3A_107 : memref<64x128xf32, #tpu.memory_space<hbm>>) dst(%arg9 : memref<64x128xf32, #tpu.memory_space<vmem>>)
        %dma_start3A_108 = arith.constant 0 : i32
        %dma_start3A_109 = tpu.memref_slice %arg8[%add3A_91, %dma_start3A_108] : memref<40x64xi32, #tpu.memory_space<vmem>> -> memref<1x64xi32, #tpu.memory_space<vmem>>
        %dma_start3A_110 = tpu.memref_squeeze %dma_start3A_109 : memref<1x64xi32, #tpu.memory_space<vmem>> -> memref<64xi32, #tpu.memory_space<vmem>>
        %dma_start3A_111 = arith.constant 0 : i32
        %dma_start3A_112 = arith.constant 0 : i32
        %dma_start3A_113 = tpu.memref_slice %arg6[%dma_start3A_111, %dma_start3A_112] : memref<10112x128xf32, #tpu.memory_space<vmem_shared>> -> memref<10112x128xf32, #tpu.memory_space<vmem_shared>>
        tpu.enqueue_indirect_dma source(%arg9 : memref<64x128xf32, #tpu.memory_space<vmem>>) target(%dma_start3A_113 : memref<10112x128xf32, #tpu.memory_space<vmem_shared>>) offsets(%dma_start3A_110 : memref<64xi32, #tpu.memory_space<vmem>>) semaphore(%arg17 : memref<!tpu.dma_semaphore, #tpu.memory_space<semaphore_mem>>) {add = true}
        %add3A_114 = arith.constant 1 : i32
        %add3A_115 = arith.addi %add3A_89, %add3A_114 : i32
        %ge3A_116 = arith.constant 2 : i32
        %ge3A_117 = arith.cmpi sge, %add3A_115, %ge3A_116 : i32
        %convert_element_type3A_118 = arith.extui %ge3A_117 : i1 to i32
        %cond3A_119 = arith.constant 0 : i32
        %cond3A_120 = arith.cmpi ne, %convert_element_type3A_118, %cond3A_119 : i32
        scf.if %cond3A_120 {
          %dma_wait3A_192 = arith.constant 0 : i32
          %dma_wait3A_193 = arith.constant 0 : i32
          %dma_wait3A_194 = tpu.memref_slice %arg6[%dma_wait3A_192, %dma_wait3A_193] : memref<10112x128xf32, #tpu.memory_space<vmem_shared>> -> memref<64x128xf32, #tpu.memory_space<vmem_shared>>
          %dma_wait3A_195 = arith.constant 0 : i32
          %dma_wait3A_196 = arith.constant 0 : i32
          %dma_wait3A_197 = tpu.memref_slice %arg6[%dma_wait3A_195, %dma_wait3A_196] : memref<10112x128xf32, #tpu.memory_space<vmem_shared>> -> memref<64x128xf32, #tpu.memory_space<vmem_shared>>
          tpu.wait_dma2 semaphore(%arg20 : memref<!tpu.dma_semaphore, #tpu.memory_space<semaphore_mem>>) src(%arg12 : memref<64x128xf32, #tpu.memory_space<vmem>>) dst(%dma_wait3A_197 : memref<64x128xf32, #tpu.memory_space<vmem_shared>>)
        } else {
        }
        %add3A_121 = arith.constant 2 : i32
        %add3A_122 = arith.addi %add3A_115, %add3A_121 : i32
        %lt3A_123 = arith.constant 40 : i32
        %lt3A_124 = arith.cmpi slt, %add3A_122, %lt3A_123 : i32
        %convert_element_type3A_125 = arith.extui %lt3A_124 : i1 to i32
        %cond3A_126 = arith.constant 0 : i32
        %cond3A_127 = arith.cmpi ne, %convert_element_type3A_125, %cond3A_126 : i32
        scf.if %cond3A_127 {
          %add3A_192 = arith.constant 2 : i32
          %add3A_193 = arith.addi %add3A_115, %add3A_192 : i32
          %dma_start3A_194 = arith.constant 0 : i32
          %dma_start3A_195 = tpu.memref_slice %arg7[%add3A_193, %dma_start3A_194] : memref<40x64xi32, #tpu.memory_space<vmem>> -> memref<1x64xi32, #tpu.memory_space<vmem>>
          %dma_start3A_196 = tpu.memref_squeeze %dma_start3A_195 : memref<1x64xi32, #tpu.memory_space<vmem>> -> memref<64xi32, #tpu.memory_space<vmem>>
          %dma_start3A_197 = arith.constant 0 : i32
          %dma_start3A_198 = arith.constant 0 : i32
          %dma_start3A_199 = tpu.memref_slice %arg2[%dma_start3A_197, %dma_start3A_198] : memref<10000x128xf32, #tpu.memory_space<hbm>> -> memref<10000x128xf32, #tpu.memory_space<hbm>>
          tpu.enqueue_indirect_dma source(%dma_start3A_199 : memref<10000x128xf32, #tpu.memory_space<hbm>>) target(%arg12 : memref<64x128xf32, #tpu.memory_space<vmem>>) offsets(%dma_start3A_196 : memref<64xi32, #tpu.memory_space<vmem>>) semaphore(%arg16 : memref<!tpu.dma_semaphore, #tpu.memory_space<semaphore_mem>>)
        } else {
        }
        %dma_wait3A_128 = arith.constant 0 : i32
        %dma_wait3A_129 = arith.constant 0 : i32
        %dma_wait3A_130 = tpu.memref_slice %arg2[%dma_wait3A_128, %dma_wait3A_129] : memref<10000x128xf32, #tpu.memory_space<hbm>> -> memref<64x128xf32, #tpu.memory_space<hbm>>
        %dma_wait3A_131 = arith.constant 0 : i32
        %dma_wait3A_132 = arith.constant 0 : i32
        %dma_wait3A_133 = tpu.memref_slice %arg2[%dma_wait3A_131, %dma_wait3A_132] : memref<10000x128xf32, #tpu.memory_space<hbm>> -> memref<64x128xf32, #tpu.memory_space<hbm>>
        tpu.wait_dma2 semaphore(%arg14 : memref<!tpu.dma_semaphore, #tpu.memory_space<semaphore_mem>>) src(%dma_wait3A_133 : memref<64x128xf32, #tpu.memory_space<hbm>>) dst(%arg10 : memref<64x128xf32, #tpu.memory_space<vmem>>)
        %dma_start3A_134 = arith.constant 0 : i32
        %dma_start3A_135 = tpu.memref_slice %arg8[%add3A_115, %dma_start3A_134] : memref<40x64xi32, #tpu.memory_space<vmem>> -> memref<1x64xi32, #tpu.memory_space<vmem>>
        %dma_start3A_136 = tpu.memref_squeeze %dma_start3A_135 : memref<1x64xi32, #tpu.memory_space<vmem>> -> memref<64xi32, #tpu.memory_space<vmem>>
        %dma_start3A_137 = arith.constant 0 : i32
        %dma_start3A_138 = arith.constant 0 : i32
        %dma_start3A_139 = tpu.memref_slice %arg6[%dma_start3A_137, %dma_start3A_138] : memref<10112x128xf32, #tpu.memory_space<vmem_shared>> -> memref<10112x128xf32, #tpu.memory_space<vmem_shared>>
        tpu.enqueue_indirect_dma source(%arg10 : memref<64x128xf32, #tpu.memory_space<vmem>>) target(%dma_start3A_139 : memref<10112x128xf32, #tpu.memory_space<vmem_shared>>) offsets(%dma_start3A_136 : memref<64xi32, #tpu.memory_space<vmem>>) semaphore(%arg18 : memref<!tpu.dma_semaphore, #tpu.memory_space<semaphore_mem>>) {add = true}
        %add3A_140 = arith.constant 2 : i32
        %add3A_141 = arith.addi %add3A_89, %add3A_140 : i32
        %ge3A_142 = arith.constant 2 : i32
        %ge3A_143 = arith.cmpi sge, %add3A_141, %ge3A_142 : i32
        %convert_element_type3A_144 = arith.extui %ge3A_143 : i1 to i32
        %cond3A_145 = arith.constant 0 : i32
        %cond3A_146 = arith.cmpi ne, %convert_element_type3A_144, %cond3A_145 : i32
        scf.if %cond3A_146 {
          %dma_wait3A_192 = arith.constant 0 : i32
          %dma_wait3A_193 = arith.constant 0 : i32
          %dma_wait3A_194 = tpu.memref_slice %arg6[%dma_wait3A_192, %dma_wait3A_193] : memref<10112x128xf32, #tpu.memory_space<vmem_shared>> -> memref<64x128xf32, #tpu.memory_space<vmem_shared>>
          %dma_wait3A_195 = arith.constant 0 : i32
          %dma_wait3A_196 = arith.constant 0 : i32
          %dma_wait3A_197 = tpu.memref_slice %arg6[%dma_wait3A_195, %dma_wait3A_196] : memref<10112x128xf32, #tpu.memory_space<vmem_shared>> -> memref<64x128xf32, #tpu.memory_space<vmem_shared>>
          tpu.wait_dma2 semaphore(%arg17 : memref<!tpu.dma_semaphore, #tpu.memory_space<semaphore_mem>>) src(%arg9 : memref<64x128xf32, #tpu.memory_space<vmem>>) dst(%dma_wait3A_197 : memref<64x128xf32, #tpu.memory_space<vmem_shared>>)
        } else {
        }
        %add3A_147 = arith.constant 2 : i32
        %add3A_148 = arith.addi %add3A_141, %add3A_147 : i32
        %lt3A_149 = arith.constant 40 : i32
        %lt3A_150 = arith.cmpi slt, %add3A_148, %lt3A_149 : i32
        %convert_element_type3A_151 = arith.extui %lt3A_150 : i1 to i32
        %cond3A_152 = arith.constant 0 : i32
        %cond3A_153 = arith.cmpi ne, %convert_element_type3A_151, %cond3A_152 : i32
        scf.if %cond3A_153 {
          %add3A_192 = arith.constant 2 : i32
          %add3A_193 = arith.addi %add3A_141, %add3A_192 : i32
          %dma_start3A_194 = arith.constant 0 : i32
          %dma_start3A_195 = tpu.memref_slice %arg7[%add3A_193, %dma_start3A_194] : memref<40x64xi32, #tpu.memory_space<vmem>> -> memref<1x64xi32, #tpu.memory_space<vmem>>
          %dma_start3A_196 = tpu.memref_squeeze %dma_start3A_195 : memref<1x64xi32, #tpu.memory_space<vmem>> -> memref<64xi32, #tpu.memory_space<vmem>>
          %dma_start3A_197 = arith.constant 0 : i32
          %dma_start3A_198 = arith.constant 0 : i32
          %dma_start3A_199 = tpu.memref_slice %arg2[%dma_start3A_197, %dma_start3A_198] : memref<10000x128xf32, #tpu.memory_space<hbm>> -> memref<10000x128xf32, #tpu.memory_space<hbm>>
          tpu.enqueue_indirect_dma source(%dma_start3A_199 : memref<10000x128xf32, #tpu.memory_space<hbm>>) target(%arg9 : memref<64x128xf32, #tpu.memory_space<vmem>>) offsets(%dma_start3A_196 : memref<64xi32, #tpu.memory_space<vmem>>) semaphore(%arg13 : memref<!tpu.dma_semaphore, #tpu.memory_space<semaphore_mem>>)
        } else {
        }
        %dma_wait3A_154 = arith.constant 0 : i32
        %dma_wait3A_155 = arith.constant 0 : i32
        %dma_wait3A_156 = tpu.memref_slice %arg2[%dma_wait3A_154, %dma_wait3A_155] : memref<10000x128xf32, #tpu.memory_space<hbm>> -> memref<64x128xf32, #tpu.memory_space<hbm>>
        %dma_wait3A_157 = arith.constant 0 : i32
        %dma_wait3A_158 = arith.constant 0 : i32
        %dma_wait3A_159 = tpu.memref_slice %arg2[%dma_wait3A_157, %dma_wait3A_158] : memref<10000x128xf32, #tpu.memory_space<hbm>> -> memref<64x128xf32, #tpu.memory_space<hbm>>
        tpu.wait_dma2 semaphore(%arg15 : memref<!tpu.dma_semaphore, #tpu.memory_space<semaphore_mem>>) src(%dma_wait3A_159 : memref<64x128xf32, #tpu.memory_space<hbm>>) dst(%arg11 : memref<64x128xf32, #tpu.memory_space<vmem>>)
        %dma_start3A_160 = arith.constant 0 : i32
        %dma_start3A_161 = tpu.memref_slice %arg8[%add3A_141, %dma_start3A_160] : memref<40x64xi32, #tpu.memory_space<vmem>> -> memref<1x64xi32, #tpu.memory_space<vmem>>
        %dma_start3A_162 = tpu.memref_squeeze %dma_start3A_161 : memref<1x64xi32, #tpu.memory_space<vmem>> -> memref<64xi32, #tpu.memory_space<vmem>>
        %dma_start3A_163 = arith.constant 0 : i32
        %dma_start3A_164 = arith.constant 0 : i32
        %dma_start3A_165 = tpu.memref_slice %arg6[%dma_start3A_163, %dma_start3A_164] : memref<10112x128xf32, #tpu.memory_space<vmem_shared>> -> memref<10112x128xf32, #tpu.memory_space<vmem_shared>>
        tpu.enqueue_indirect_dma source(%arg11 : memref<64x128xf32, #tpu.memory_space<vmem>>) target(%dma_start3A_165 : memref<10112x128xf32, #tpu.memory_space<vmem_shared>>) offsets(%dma_start3A_162 : memref<64xi32, #tpu.memory_space<vmem>>) semaphore(%arg19 : memref<!tpu.dma_semaphore, #tpu.memory_space<semaphore_mem>>) {add = true}
        %add3A_166 = arith.constant 3 : i32
        %add3A_167 = arith.addi %add3A_89, %add3A_166 : i32
        %ge3A_168 = arith.constant 2 : i32
        %ge3A_169 = arith.cmpi sge, %add3A_167, %ge3A_168 : i32
        %convert_element_type3A_170 = arith.extui %ge3A_169 : i1 to i32
        %cond3A_171 = arith.constant 0 : i32
        %cond3A_172 = arith.cmpi ne, %convert_element_type3A_170, %cond3A_171 : i32
        scf.if %cond3A_172 {
          %dma_wait3A_192 = arith.constant 0 : i32
          %dma_wait3A_193 = arith.constant 0 : i32
          %dma_wait3A_194 = tpu.memref_slice %arg6[%dma_wait3A_192, %dma_wait3A_193] : memref<10112x128xf32, #tpu.memory_space<vmem_shared>> -> memref<64x128xf32, #tpu.memory_space<vmem_shared>>
          %dma_wait3A_195 = arith.constant 0 : i32
          %dma_wait3A_196 = arith.constant 0 : i32
          %dma_wait3A_197 = tpu.memref_slice %arg6[%dma_wait3A_195, %dma_wait3A_196] : memref<10112x128xf32, #tpu.memory_space<vmem_shared>> -> memref<64x128xf32, #tpu.memory_space<vmem_shared>>
          tpu.wait_dma2 semaphore(%arg18 : memref<!tpu.dma_semaphore, #tpu.memory_space<semaphore_mem>>) src(%arg10 : memref<64x128xf32, #tpu.memory_space<vmem>>) dst(%dma_wait3A_197 : memref<64x128xf32, #tpu.memory_space<vmem_shared>>)
        } else {
        }
        %add3A_173 = arith.constant 2 : i32
        %add3A_174 = arith.addi %add3A_167, %add3A_173 : i32
        %lt3A_175 = arith.constant 40 : i32
        %lt3A_176 = arith.cmpi slt, %add3A_174, %lt3A_175 : i32
        %convert_element_type3A_177 = arith.extui %lt3A_176 : i1 to i32
        %cond3A_178 = arith.constant 0 : i32
        %cond3A_179 = arith.cmpi ne, %convert_element_type3A_177, %cond3A_178 : i32
        scf.if %cond3A_179 {
          %add3A_192 = arith.constant 2 : i32
          %add3A_193 = arith.addi %add3A_167, %add3A_192 : i32
          %dma_start3A_194 = arith.constant 0 : i32
          %dma_start3A_195 = tpu.memref_slice %arg7[%add3A_193, %dma_start3A_194] : memref<40x64xi32, #tpu.memory_space<vmem>> -> memref<1x64xi32, #tpu.memory_space<vmem>>
          %dma_start3A_196 = tpu.memref_squeeze %dma_start3A_195 : memref<1x64xi32, #tpu.memory_space<vmem>> -> memref<64xi32, #tpu.memory_space<vmem>>
          %dma_start3A_197 = arith.constant 0 : i32
          %dma_start3A_198 = arith.constant 0 : i32
          %dma_start3A_199 = tpu.memref_slice %arg2[%dma_start3A_197, %dma_start3A_198] : memref<10000x128xf32, #tpu.memory_space<hbm>> -> memref<10000x128xf32, #tpu.memory_space<hbm>>
          tpu.enqueue_indirect_dma source(%dma_start3A_199 : memref<10000x128xf32, #tpu.memory_space<hbm>>) target(%arg10 : memref<64x128xf32, #tpu.memory_space<vmem>>) offsets(%dma_start3A_196 : memref<64xi32, #tpu.memory_space<vmem>>) semaphore(%arg14 : memref<!tpu.dma_semaphore, #tpu.memory_space<semaphore_mem>>)
        } else {
        }
        %dma_wait3A_180 = arith.constant 0 : i32
        %dma_wait3A_181 = arith.constant 0 : i32
        %dma_wait3A_182 = tpu.memref_slice %arg2[%dma_wait3A_180, %dma_wait3A_181] : memref<10000x128xf32, #tpu.memory_space<hbm>> -> memref<64x128xf32, #tpu.memory_space<hbm>>
        %dma_wait3A_183 = arith.constant 0 : i32
        %dma_wait3A_184 = arith.constant 0 : i32
        %dma_wait3A_185 = tpu.memref_slice %arg2[%dma_wait3A_183, %dma_wait3A_184] : memref<10000x128xf32, #tpu.memory_space<hbm>> -> memref<64x128xf32, #tpu.memory_space<hbm>>
        tpu.wait_dma2 semaphore(%arg16 : memref<!tpu.dma_semaphore, #tpu.memory_space<semaphore_mem>>) src(%dma_wait3A_185 : memref<64x128xf32, #tpu.memory_space<hbm>>) dst(%arg12 : memref<64x128xf32, #tpu.memory_space<vmem>>)
        %dma_start3A_186 = arith.constant 0 : i32
        %dma_start3A_187 = tpu.memref_slice %arg8[%add3A_167, %dma_start3A_186] : memref<40x64xi32, #tpu.memory_space<vmem>> -> memref<1x64xi32, #tpu.memory_space<vmem>>
        %dma_start3A_188 = tpu.memref_squeeze %dma_start3A_187 : memref<1x64xi32, #tpu.memory_space<vmem>> -> memref<64xi32, #tpu.memory_space<vmem>>
        %dma_start3A_189 = arith.constant 0 : i32
        %dma_start3A_190 = arith.constant 0 : i32
        %dma_start3A_191 = tpu.memref_slice %arg6[%dma_start3A_189, %dma_start3A_190] : memref<10112x128xf32, #tpu.memory_space<vmem_shared>> -> memref<10112x128xf32, #tpu.memory_space<vmem_shared>>
        tpu.enqueue_indirect_dma source(%arg12 : memref<64x128xf32, #tpu.memory_space<vmem>>) target(%dma_start3A_191 : memref<10112x128xf32, #tpu.memory_space<vmem_shared>>) offsets(%dma_start3A_188 : memref<64xi32, #tpu.memory_space<vmem>>) semaphore(%arg20 : memref<!tpu.dma_semaphore, #tpu.memory_space<semaphore_mem>>) {add = true}
      }
      %scan3A_72 = arith.constant 10 : i32
      %dma_wait3A_73 = arith.constant 0 : i32
      %dma_wait3A_74 = arith.constant 0 : i32
      %dma_wait3A_75 = tpu.memref_slice %arg6[%dma_wait3A_73, %dma_wait3A_74] : memref<10112x128xf32, #tpu.memory_space<vmem_shared>> -> memref<64x128xf32, #tpu.memory_space<vmem_shared>>
      %dma_wait3A_76 = arith.constant 0 : i32
      %dma_wait3A_77 = arith.constant 0 : i32
      %dma_wait3A_78 = tpu.memref_slice %arg6[%dma_wait3A_76, %dma_wait3A_77] : memref<10112x128xf32, #tpu.memory_space<vmem_shared>> -> memref<64x128xf32, #tpu.memory_space<vmem_shared>>
      tpu.wait_dma2 semaphore(%arg19 : memref<!tpu.dma_semaphore, #tpu.memory_space<semaphore_mem>>) src(%arg11 : memref<64x128xf32, #tpu.memory_space<vmem>>) dst(%dma_wait3A_78 : memref<64x128xf32, #tpu.memory_space<vmem_shared>>)
      %dma_wait3A_79 = arith.constant 0 : i32
      %dma_wait3A_80 = arith.constant 0 : i32
      %dma_wait3A_81 = tpu.memref_slice %arg6[%dma_wait3A_79, %dma_wait3A_80] : memref<10112x128xf32, #tpu.memory_space<vmem_shared>> -> memref<64x128xf32, #tpu.memory_space<vmem_shared>>
      %dma_wait3A_82 = arith.constant 0 : i32
      %dma_wait3A_83 = arith.constant 0 : i32
      %dma_wait3A_84 = tpu.memref_slice %arg6[%dma_wait3A_82, %dma_wait3A_83] : memref<10112x128xf32, #tpu.memory_space<vmem_shared>> -> memref<64x128xf32, #tpu.memory_space<vmem_shared>>
      tpu.wait_dma2 semaphore(%arg20 : memref<!tpu.dma_semaphore, #tpu.memory_space<semaphore_mem>>) src(%arg12 : memref<64x128xf32, #tpu.memory_space<vmem>>) dst(%dma_wait3A_84 : memref<64x128xf32, #tpu.memory_space<vmem_shared>>)
    } else {
    }
    %barrier3A_44 = arith.constant 0 : index
    tpu.barrier barrier_id(%barrier3A_44)
    %mul3A_45 = arith.constant 632 : i32
    %mul3A_46 = arith.muli %arg1, %mul3A_45 : i32
    %mul3A_47 = arith.constant 632 : i32
    %mul3A_48 = arith.muli %arg1, %mul3A_47 : i32
    "tpu.region"() ({
      %run_scoped3A_49 = tpu.sem_alloc : memref<!tpu.dma_semaphore, #tpu.memory_space<semaphore_mem>>
      %dma_start3A_50 = arith.constant 0 : i32
      %dma_start3A_51 = tpu.memref_slice %arg5[%arg0, %mul3A_48, %dma_start3A_50] : memref<2x10112x128xf32, #tpu.memory_space<hbm>> -> memref<1x632x128xf32, #tpu.memory_space<hbm>>
      %dma_start3A_52 = tpu.memref_squeeze %dma_start3A_51 : memref<1x632x128xf32, #tpu.memory_space<hbm>> -> memref<632x128xf32, #tpu.memory_space<hbm>>
      %dma_start3A_53 = arith.constant 0 : i32
      %dma_start3A_54 = tpu.memref_slice %arg6[%mul3A_46, %dma_start3A_53] : memref<10112x128xf32, #tpu.memory_space<vmem_shared>> -> memref<632x128xf32, #tpu.memory_space<vmem_shared>>
      tpu.enqueue_dma source(%dma_start3A_54 : memref<632x128xf32, #tpu.memory_space<vmem_shared>>) target(%dma_start3A_52 : memref<632x128xf32, #tpu.memory_space<hbm>>) target_semaphore(%run_scoped3A_49 : memref<!tpu.dma_semaphore, #tpu.memory_space<semaphore_mem>>)
      %dma_wait3A_55 = arith.constant 0 : i32
      %dma_wait3A_56 = tpu.memref_slice %arg5[%arg0, %mul3A_48, %dma_wait3A_55] : memref<2x10112x128xf32, #tpu.memory_space<hbm>> -> memref<1x632x128xf32, #tpu.memory_space<hbm>>
      %dma_wait3A_57 = tpu.memref_squeeze %dma_wait3A_56 : memref<1x632x128xf32, #tpu.memory_space<hbm>> -> memref<632x128xf32, #tpu.memory_space<hbm>>
      %dma_wait3A_58 = arith.constant 0 : i32
      %dma_wait3A_59 = tpu.memref_slice %arg6[%mul3A_46, %dma_wait3A_58] : memref<10112x128xf32, #tpu.memory_space<vmem_shared>> -> memref<632x128xf32, #tpu.memory_space<vmem_shared>>
      tpu.wait_dma2 semaphore(%run_scoped3A_49 : memref<!tpu.dma_semaphore, #tpu.memory_space<semaphore_mem>>) src(%dma_wait3A_59 : memref<632x128xf32, #tpu.memory_space<vmem_shared>>) dst(%dma_wait3A_57 : memref<632x128xf32, #tpu.memory_space<hbm>>)
      tpu.yield
    }) : () -> ()
    return
  }
}

module attributes {stable_mosaic.version = 14 : i64} {
  func.func @_mm_out_body(%arg0: i32, %arg1: memref<2x2000x128xf32, #tpu.memory_space<vmem>>, %arg2: memref<128x128xf32, #tpu.memory_space<vmem>>, %arg3: memref<1x128xf32, #tpu.memory_space<vmem>>, %arg4: memref<2000x128xf32, #tpu.memory_space<vmem>>) attributes {dimension_semantics = [#tpu.dimension_semantics<arbitrary>], iteration_bounds = array<i64: 5>, scalar_prefetch = 0 : i64, scratch_operands = 0 : i64, tpu.core_type = #tpu.core_type<tc>, window_params = [{transform_indices = @transform_0, window_bounds = array<i64: 2, 2000, 128>}, {pipeline_mode = #tpu.pipeline_mode<synchronous>, transform_indices = @transform_1, window_bounds = array<i64: 128, 128>}, {pipeline_mode = #tpu.pipeline_mode<synchronous>, transform_indices = @transform_2, window_bounds = array<i64: 1, 128>}, {transform_indices = @transform_3, window_bounds = array<i64: 2000, 128>}]} {
    %get3A = arith.constant 0 : index
    %get3A_0 = arith.constant 0 : index
    %get3A_1 = arith.constant 0 : index
    %get3A_2 = vector.load %arg1[%get3A, %get3A_0, %get3A_1] : memref<2x2000x128xf32, #tpu.memory_space<vmem>>, vector<1x2000x128xf32>
    %get3A_3 = vector.shape_cast %get3A_2 : vector<1x2000x128xf32> to vector<2000x128xf32>
    %get3A_4 = arith.constant 1 : index
    %get3A_5 = arith.constant 0 : index
    %get3A_6 = arith.constant 0 : index
    %get3A_7 = vector.load %arg1[%get3A_4, %get3A_5, %get3A_6] : memref<2x2000x128xf32, #tpu.memory_space<vmem>>, vector<1x2000x128xf32>
    %get3A_8 = vector.shape_cast %get3A_7 : vector<1x2000x128xf32> to vector<2000x128xf32>
    %add3A = arith.addf %get3A_3, %get3A_8 : vector<2000x128xf32>
    %get3A_9 = arith.constant 0 : index
    %get3A_10 = arith.constant 0 : index
    %get3A_11 = vector.load %arg2[%get3A_9, %get3A_10] : memref<128x128xf32, #tpu.memory_space<vmem>>, vector<128x128xf32>
    %dot_general3A = arith.constant dense<0.000000e+00> : vector<2000x128xf32>
    %dot_general3A_12 = tpu.matmul %add3A, %get3A_11, %dot_general3A {dimension_numbers = #tpu.dot_dimension_numbers<[1], [0], [0], [1], [0, 0, 1, 1], [], []>, transpose_lhs_hint = false} : vector<2000x128xf32>, vector<128x128xf32>, vector<2000x128xf32> -> vector<2000x128xf32>
    %get3A_13 = arith.constant 0 : index
    %get3A_14 = arith.constant 0 : index
    %get3A_15 = vector.load %arg3[%get3A_13, %get3A_14] : memref<1x128xf32, #tpu.memory_space<vmem>>, vector<1x128xf32>
    %add3A_16 = vector.broadcast %get3A_15 : vector<1x128xf32> to vector<2000x128xf32>
    %add3A_17 = arith.addf %dot_general3A_12, %add3A_16 : vector<2000x128xf32>
    %swap3A = arith.constant 0 : index
    %swap3A_18 = arith.constant 0 : index
    %swap3A_19 = vector.load %arg4[%swap3A, %swap3A_18] : memref<2000x128xf32, #tpu.memory_space<vmem>>, vector<2000x128xf32>
    tpu.vector_store %arg4[%swap3A, %swap3A_18], %add3A_17 {strides = array<i32>} : memref<2000x128xf32, #tpu.memory_space<vmem>>, vector<2000x128xf32>,
    return
  }
  func.func @transform_0(%arg0: i32) -> (i32, i32, i32) {
    %c0_i32 = arith.constant 0 : i32
    %c0_i32_0 = arith.constant 0 : i32
    %c0_i32_1 = arith.constant 0 : i32
    return %c0_i32, %arg0, %c0_i32_0 : i32, i32, i32
  }
  func.func @transform_1(%arg0: i32) -> (i32, i32) {
    %c0_i32 = arith.constant 0 : i32
    %c0_i32_0 = arith.constant 0 : i32
    %c0_i32_1 = arith.constant 0 : i32
    return %c0_i32, %c0_i32_0 : i32, i32
  }
  func.func @transform_2(%arg0: i32) -> (i32, i32) {
    %c0_i32 = arith.constant 0 : i32
    %c0_i32_0 = arith.constant 0 : i32
    %c0_i32_1 = arith.constant 0 : i32
    return %c0_i32, %c0_i32_0 : i32, i32
  }
  func.func @transform_3(%arg0: i32) -> (i32, i32) {
    %c0_i32 = arith.constant 0 : i32
    %c0_i32_0 = arith.constant 0 : i32
    return %arg0, %c0_i32 : i32, i32
  }
}

module attributes {stable_mosaic.version = 14 : i64} {
  func.func @_mm_hs_body(%arg0: i32, %arg1: memref<2000x128xf32, #tpu.memory_space<vmem>>, %arg2: memref<128x128xf32, #tpu.memory_space<vmem>>, %arg3: memref<1x128xf32, #tpu.memory_space<vmem>>, %arg4: memref<2000x128xf32, #tpu.memory_space<vmem>>) attributes {dimension_semantics = [#tpu.dimension_semantics<arbitrary>], iteration_bounds = array<i64: 5>, scalar_prefetch = 0 : i64, scratch_operands = 0 : i64, tpu.core_type = #tpu.core_type<tc>, window_params = [{transform_indices = @transform_0, window_bounds = array<i64: 2000, 128>}, {pipeline_mode = #tpu.pipeline_mode<synchronous>, transform_indices = @transform_1, window_bounds = array<i64: 128, 128>}, {pipeline_mode = #tpu.pipeline_mode<synchronous>, transform_indices = @transform_2, window_bounds = array<i64: 1, 128>}, {transform_indices = @transform_3, window_bounds = array<i64: 2000, 128>}]} {
    %get3A = arith.constant 0 : index
    %get3A_0 = arith.constant 0 : index
    %get3A_1 = vector.load %arg1[%get3A, %get3A_0] : memref<2000x128xf32, #tpu.memory_space<vmem>>, vector<2000x128xf32>
    %get3A_2 = arith.constant 0 : index
    %get3A_3 = arith.constant 0 : index
    %get3A_4 = vector.load %arg2[%get3A_2, %get3A_3] : memref<128x128xf32, #tpu.memory_space<vmem>>, vector<128x128xf32>
    %dot_general3A = arith.constant dense<0.000000e+00> : vector<2000x128xf32>
    %dot_general3A_5 = tpu.matmul %get3A_1, %get3A_4, %dot_general3A {dimension_numbers = #tpu.dot_dimension_numbers<[1], [0], [0], [1], [0, 0, 1, 1], [], []>, transpose_lhs_hint = false} : vector<2000x128xf32>, vector<128x128xf32>, vector<2000x128xf32> -> vector<2000x128xf32>
    %get3A_6 = arith.constant 0 : index
    %get3A_7 = arith.constant 0 : index
    %get3A_8 = vector.load %arg3[%get3A_6, %get3A_7] : memref<1x128xf32, #tpu.memory_space<vmem>>, vector<1x128xf32>
    %add3A = vector.broadcast %get3A_8 : vector<1x128xf32> to vector<2000x128xf32>
    %add3A_9 = arith.addf %dot_general3A_5, %add3A : vector<2000x128xf32>
    %swap3A = arith.constant 0 : index
    %swap3A_10 = arith.constant 0 : index
    %swap3A_11 = vector.load %arg4[%swap3A, %swap3A_10] : memref<2000x128xf32, #tpu.memory_space<vmem>>, vector<2000x128xf32>
    tpu.vector_store %arg4[%swap3A, %swap3A_10], %add3A_9 {strides = array<i32>} : memref<2000x128xf32, #tpu.memory_space<vmem>>, vector<2000x128xf32>,
    return
  }
  func.func @transform_0(%arg0: i32) -> (i32, i32) {
    %c0_i32 = arith.constant 0 : i32
    %c0_i32_0 = arith.constant 0 : i32
    return %arg0, %c0_i32 : i32, i32
  }
  func.func @transform_1(%arg0: i32) -> (i32, i32) {
    %c0_i32 = arith.constant 0 : i32
    %c0_i32_0 = arith.constant 0 : i32
    %c0_i32_1 = arith.constant 0 : i32
    return %c0_i32, %c0_i32_0 : i32, i32
  }
  func.func @transform_2(%arg0: i32) -> (i32, i32) {
    %c0_i32 = arith.constant 0 : i32
    %c0_i32_0 = arith.constant 0 : i32
    %c0_i32_1 = arith.constant 0 : i32
    return %c0_i32, %c0_i32_0 : i32, i32
  }
  func.func @transform_3(%arg0: i32) -> (i32, i32) {
    %c0_i32 = arith.constant 0 : i32
    %c0_i32_0 = arith.constant 0 : i32
    return %arg0, %c0_i32 : i32, i32
  }
}

</mosaic_0001>

<sc_bundles>
// kernel: kernel.5.cloned.1.call-start
scs
__scs_entry_jumppad:
0x0: {  	(pc) =	sbr.rel $0x88, $3  }
0x1: {  	(tag) =	ssettag $0x0;
	lr =	simm.s32 $0x1  }
0x2: {  	[smem:$0x3F9B] =	sst lr;
	_ =	strace $0xD0000000  }
0x3: {  	_ = 	snop  }
0x4: {  	_ = 	snop  }
0x5: {  	_ = 	snop  }
0x6: {  	_ = 	snop  }
0x7: {  	_ = 	snop  }
__scs_overlays_trampoline_lowered:
0x8: {  	[smem:$0x3FAA] =	sst s0  }
0x9: {  	[smem:$0x3FAB] =	sst s1  }
0xa: {  	[smem:$0x3FAC] =	sst s2  }
0xb: {  	[smem:$0x3FAD] =	sst s3  }
0xc: {  	[smem:$0x3FAE] =	sst s4  }
0xd: {  	[smem:$0x3FAF] =	sst s5  }
0xe: {  	[smem:$0x3FB0] =	sst s6  }
0xf: {  	[smem:$0x3FB1] =	sst s7  }
0x10: {  	[smem:$0x3FB2] =	sst s8  }
0x11: {  	[smem:$0x3FB3] =	sst s9;
	s0 =	simm.s32 @!p0 $0x0  }
0x12: {  	s1 =	sld [smem:$0x3F99];
	s0 =	simm.s32 @p0 $0x1  }
0x13: {  	[smem:$0x3FB4] =	sst s0;
	s0 =	simm.s32 @!p1 $0x0  }
0x14: {  	s2 =	sld [smem:$0x3F98];
	s0 =	simm.s32 @p1 $0x1  }
0x15: {  	[smem:$0x3FB5] =	sst s0;
	s0 =	simm.s32 @!p2 $0x0  }
0x16: {  	s3 =	sld [smem:$0x3FDB];
	s0 =	simm.s32 @p2 $0x1  }
0x17: {  	s4 =	simm.s32 $0x1BF5;
	[smem:$0x3FB7] =	sst s0  }
0x18: {  	s0 =	sld [smem:$0x3F9A];
	_ =	swait.ge [sflag:s4], $0x0  }
0x19: {  	s7 =	sld [smem:$0x3F9B]  }
0x1a: {  	s8 =	sadd.s32 $0xFFFFE003, lr  }
0x1b: {  	s9 =	sadd.s32 $0xFFFFFEF7, lr;
	s5 =	simm.s32 $0xFFFFFFFF;
	p2 =	slt.u32 s8, $0xFFFFF086  }
0x1c: {  	p1 =	slt.u32 s9, $0xF7A;
	s5 =	simm.s32 @!p2 $0x0  }
0x1d: {  	s5 =	simm.s32 @p1 $0x1;
	p0 =	seq.s32 s7, s2  }
0x1e: {  	s7 =	smul.u32 @!p0 $0xF7A, s2;
	p2 =	seq.s32 @!p0 s5, $0x0  }
0x1f: {  	s9 =	smul.u32 $0xF7A, s1;
	s8 =	simm.s32 @!p0 $0x1BF5;
	p2 =	por !p2, p0  }
0x20: {  	[sflag:s8] =	ssyncset.s32 @!p0 $0xFFFFF086;
	s6 =	sadd.s32 @!p0 s3, s7;
	s7 =	simm.s32 @!p0 $0x108  }
0x21: {  	s3 =	sadd.s32 s3, s9;
	s6 =	sadd.s32 @!p0 $0x88, s6;
	s7 =	simm.s32 @p2 $0x1082  }
0x22: {  	[simem:s7], [sflag:s8] =	dma.local @!p0 [hbm:s6], $0xF7A  }
0x23: {  	s9 =	sor.u32 $0xD0000000, s2;
	s6 =	simm.s32 $0x108;
	_ =	swait.ge @!p0 [sflag:s8], $0x0  }
0x24: {  	s3 =	sadd.s32 $0x88, s3;
	s6 =	simm.s32 @!p1 $0x1082;
	[sflag:s4] =	ssyncset.s32 $0xFFFFF086  }
0x25: {  	[simem:s6], [sflag:s4] =	dma.local [hbm:s3], $0xF7A  }
0x26: {  	[smem:$0x3F9B] =	sst s1;
	(tag) =	ssettag s2;
	_ =	strace s9  }
0x27: {  	s1 =	sld [smem:$0x3FAB]  }
0x28: {  	s2 =	sld [smem:$0x3FAC]  }
0x29: {  	s4 =	sld [smem:$0x3FAE]  }
0x2a: {  	p0 =	seq.s32 s5, $0x0;
	s5 =	sld [smem:$0x3FAF]  }
0x2b: {  	s6 =	sld [smem:$0x3FB0]  }
0x2c: {  	s7 =	sld [smem:$0x3FB1]  }
0x2d: {  	s3 =	simm.s32 $0x108;
	s8 =	sld [smem:$0x3FB2]  }
0x2e: {  	s3 =	simm.s32 @!p0 $0x1082;
	s9 =	sld [smem:$0x3FB3]  }
0x2f: {  	lr =	sadd.s32 s0, s3;
	s0 =	sld [smem:$0x3FAA]  }
0x30: {  	s3 =	sld [smem:$0x3FAD]  }
0x31: {  	[smem:$0x3FB6] =	sst s10  }
0x32: {  	s10 =	sld [smem:$0x3FB4];
	_ =	sdelay $0x3  }
0x33: {  	p0 =	seq.s32 s10, $0x1;
	s10 =	sld [smem:$0x3FB6];
	_ =	sdelay $0x3  }
0x34: {  	[smem:$0x3FB6] =	sst s10  }
0x35: {  	s10 =	sld [smem:$0x3FB5];
	_ =	sdelay $0x3  }
0x36: {  	p1 =	seq.s32 s10, $0x1;
	s10 =	sld [smem:$0x3FB6];
	_ =	sdelay $0x3  }
0x37: {  	[smem:$0x3FB6] =	sst s10  }
0x38: {  	s10 =	sld [smem:$0x3FB7]  }
0x39: {  	_ = 	snop;
	(pc) =	sbr.ind lr, $3  }
0x3a: {  	_ = 	snop  }
0x3b: {  	_ = 	snop  }
0x3c: {  	p2 =	seq.s32 s10, $0x1;
	s10 =	sld [smem:$0x3FB6]  }
0x3d: {  	_ =	shalt  }
0x3e: {  	_ =	shalt  }
0x3f: {  	_ =	shalt  }
0x40: {  	_ =	shalt  }
0x41: {  	_ =	shalt  }
0x42: {  	_ =	shalt  }
0x43: {  	_ =	shalt  }
0x44: {  	_ =	shalt  }
0x45: {  	_ =	shalt  }
0x46: {  	_ =	shalt  }
0x47: {  	_ =	shalt  }
0x48: {  	_ =	shalt  }
0x49: {  	_ =	shalt  }
0x4a: {  	_ =	shalt  }
0x4b: {  	_ =	shalt  }
0x4c: {  	_ =	shalt  }
0x4d: {  	_ =	shalt  }
0x4e: {  	_ =	shalt  }
0x4f: {  	_ =	shalt  }
0x50: {  	_ =	shalt  }
0x51: {  	_ =	shalt  }
0x52: {  	_ =	shalt  }
0x53: {  	_ =	shalt  }
0x54: {  	_ =	shalt  }
0x55: {  	_ =	shalt  }
0x56: {  	_ =	shalt  }
0x57: {  	_ =	shalt  }
0x58: {  	_ =	shalt  }
0x59: {  	_ =	shalt  }
0x5a: {  	_ =	shalt  }
0x5b: {  	_ =	shalt  }
0x5c: {  	_ =	shalt  }
0x5d: {  	_ =	shalt  }
0x5e: {  	_ =	shalt  }
0x5f: {  	_ =	shalt  }
0x60: {  	_ =	shalt  }
0x61: {  	_ =	shalt  }
0x62: {  	_ =	shalt  }
0x63: {  	_ =	shalt  }
0x64: {  	_ =	shalt  }
0x65: {  	_ =	shalt  }
0x66: {  	_ =	shalt  }
0x67: {  	_ =	shalt  }
0x68: {  	_ =	shalt  }
0x69: {  	_ =	shalt  }
0x6a: {  	_ =	shalt  }
0x6b: {  	_ =	shalt  }
0x6c: {  	_ =	shalt  }
0x6d: {  	_ =	shalt  }
0x6e: {  	_ =	shalt  }
0x6f: {  	_ =	shalt  }
0x70: {  	_ =	shalt  }
0x71: {  	_ =	shalt  }
0x72: {  	_ =	shalt  }
0x73: {  	_ =	shalt  }
0x74: {  	_ =	shalt  }
0x75: {  	_ =	shalt  }
0x76: {  	_ =	shalt  }
0x77: {  	_ =	shalt  }
0x78: {  	_ =	shalt  }
0x79: {  	_ =	shalt  }
0x7a: {  	_ =	shalt  }
0x7b: {  	_ =	shalt  }
0x7c: {  	_ =	shalt  }
0x7d: {  	_ =	shalt  }
0x7e: {  	_ =	shalt  }
0x7f: {  	_ =	shalt  }
0x80: {  	_ =	shalt  }
0x81: {  	_ =	shalt  }
0x82: {  	_ =	shalt  }
0x83: {  	_ =	shalt  }
0x84: {  	_ =	shalt  }
0x85: {  	_ =	shalt  }
0x86: {  	_ =	shalt  }
0x87: {  	_ =	shalt  }
.Lfunc_end0:
.L_simem_size_0:
called_computation_lowered:
.L_overlay_start_0:
0x88: {  	s2 =	sld [smem:$0x3FD9]  }
0x89: {  	s3 =	sld [smem:$0x3FFE];
	_ =	sdelay $0x1  }
0x8a: {  	s1 =	srdreg.scid  }
0x8b: {  	s0 =	sand.u32 $0x1, s1  }
0x8c: {  	s17 =	sshll.u32 s0, $0xA;
	s2 =	sadd.s32 s3, s2  }
0x8d: {  	s2 =	sadd.s32 s2, s17  }
0x8e: {  	[smem:$0x3FC2] =	sst s2  }
0x8f: {  	_ = 	snop  }
0x90: {  	s2 =	sld [smem:$0x3FD0];
	(tm) =	ssettm $0x1  }
0x91: {  	s18 =	sld [smem:$0x3FFB];
	_ =	sdelay $0x3  }
0x92: {  	_ =	strace s18  }
0x93: {  	s3 =	sld [smem:$0x3FFC];
	_ =	sdelay $0x3  }
0x94: {  	_ =	strace s3  }
0x95: {  	s3 =	sld [smem:$0x3FFD];
	_ =	sdelay $0x3  }
0x96: {  	_ =	strace s3  }
0x97: {  	_ =	strace $0x8FFFFFFF  }
0x98: {  	s19 =	sld [smem:$0x3FDB];
	_ =	sdelay $0x1  }
0x99: {  	s4 =	simm.s32 $_scs_section_size  }
0x9a: {  	s5 =	simm.s32 $_size__tile_overlayer_lowered;
	s6 =	simm.s32 $_tile_overlayer_lowered  }
0x9b: {  	s22 =	simm.s32 $0x1BFF;
	s21 =	sshll.u32 s6, $0x1;
	s3 =	sadd.s32 s4, s19  }
0x9c: {  	s7 =	simm.s32 $0x0;
	s20 =	sshll.u32 s5, $0x1;
	s5 =	sadd.s32 s21, s3  }
0x9d: {  	[timem:s7], [sflag:s22] =	dma.local [hbm:s5], s20  }
0x9e: {  	_ =	swait.ge [sflag:s22], s20  }
0x9f: {  	s4 =	ssub.s32 $0x0, s20;
	[sflag:s22] =	ssyncset.done $0x0  }
0xa0: {  	[sflag:s22] =	ssyncadd.s32 s4;
	_ =	sdelay $0x1  }
0xa1: {  	s23 =	simm.s32 $0x1B8B  }
0xa2: {  	_ =	swait.ge [sflag:s23], $0x1  }
0xa3: {  	[sflag:s23] =	ssyncset.done $0x0  }
0xa4: {  	s25 =	simm.s32 $0x1B8E;
	s24 =	sld [smem:$0x3FFE];
	[sflag:s23] =	ssyncadd.s32 $0xFFFFFFFF  }
0xa5: {  	s26 =	simm.s32 $execute0_lowered;
	[smem:$0x3FD2] =	sst s25  }
0xa6: {  	s5 =	sshll.u32 s26, $0x1;
	_ =	strace $0x80000046;
	[dreg:$0x1] =	wrdreg $0xFFFFFFFF  }
0xa7: {  	s28 =	simm.s32 $_size_execute0_lowered;
	s3 =	sadd.s32 s3, s5;
	[dreg:$0x0] =	wrdreg $0x0  }
0xa8: {  	s5 =	sshll.u32 s28, $0x1;
	[dreg:$0x2] =	wrdreg s3  }
0xa9: {  	[dreg:$0x3] =	wrdreg s5  }
0xaa: {  	[dreg:$0x4] =	wrdreg $0xC0  }
0xab: {  	_ =	task [dreg:s7], $0x5FFFF  }
0xac: {  	[dreg:$0x1] =	wrdreg $0xFFFFFFFF  }
0xad: {  	[dreg:$0x0] =	wrdreg $0x60  }
0xae: {  	[dreg:$0x2] =	wrdreg s2  }
0xaf: {  	[dreg:$0x3] =	wrdreg s24  }
0xb0: {  	[dreg:$0x4] =	wrdreg $0x0  }
0xb1: {  	[dreg:$0x5] =	wrdreg $0x9  }
0xb2: {  	_ =	task.clear_ibuf [dreg:s7], $0x6FFFF;
	_ =	strace $0x90000046  }
0xb3: {  	s29 =	simm.s32 $0x9;
	_ =	strace $0x80000048  }
0xb4: {  	_ =	swait.ge [sflag:s29], $0x1  }
0xb5: {  	[sflag:s29] =	ssyncadd.s32 $0xFFFFFFFF  }
0xb6: {  	_ =	strace $0x90000048  }
0xb7: {  	_ =	sfence  }
0xb8: {  	s30 =	sld [smem:$0x0];
	_ =	sdelay $0x2  }
0xb9: {  	s31 =	sshll.u32 s1, $0xD;
	s1 =	sshrl.u32 s1, $0x2  }
0xba: {  	s3 =	sand.u32 $0x4000, s31;
	s1 =	sadd.s32 s1, s30  }
0xbb: {  	s0 =	sor.u32 s3, s0;
	s1 =	sshll.u32 s1, $0x11  }
0xbc: {  	s0 =	sor.u32 s1, s0  }
0xbd: {  	s0 =	sadd.s32 $0x8F2B, s0  }
0xbe: {  	[sflag:s0] =	ssyncadd.remote.s32 $0x1  }
0xbf: {  	_ =	sfence.sel $0xFFFF  }
0xc0: {  	[dreg:$0x0] =	wrdreg $0xFFFFFFFF;
	(pc) =	sbr.abs _section_cstart, $3  }
0xc1: {  	[dreg:$0x1] =	wrdreg $0xFFFFFFFF  }
0xc2: {  	_ =	task.clear_ibuf [dreg:s7], $0x2FFFF;
	_ =	strace $0x9FFFFFFF  }
0xc3: {  	(tm) =	ssettm $0x7FFFFFFF  }
tec
execute0_lowered:
.L_overlay_start_1:
0x0: {  	(tag) =	ssettag $0x1  }
0x1: {  	s0 =	srdreg.scid;
	s1 =	rddreg [dreg:$0x0]  }
0x2: {  	s8 =	stileid.u32;
	s4 =	rddreg [dreg:$0x1]  }
0x3: {  	s3 =	rddreg [dreg:$0x2];
	s7 =	simm.s32 $0x0;
	s29 =	simm.s32 $0x1A400  }
0x4: {  	s30 =	simm.s32 $0x1;
	s11 =	simm.s32 $0x5;
	s13 =	simm.s32 $0x3  }
0x5: {  	s28 =	simm.s32 $0x16300;
	s31 =	simm.s32 $0x16380;
	s10 =	simm.s32 $0x0  }
0x6: {  	s0 =	sand.u32 $0x1, s0;
	s2 =	sshll.u32 s8, $0x1;
	s15 =	smul.u32 $0x13C00, s8  }
0x7: {  	[smem:$0x7FF] =	sst s7;
	s16 =	smul.u32 $0x4F000, s8;
	s9 =	sadd.s32 $0x28200, s4  }
0x8: {  	s19 =	sshll.u32 s8, $0x6;
	s8 =	simm.s32 $0x7;
	s2 =	sor.u32 s0, s2  }
0x9: {  	s6 =	smul.u32 $0x13C000, s0;
	_ =	strace $0x80000047;
	[dreg:$0x4] =	wrdreg s9  }
0xa: {  	s0 =	ssub.s32 $0x2, s0;
	[dreg:$0x5] =	wrdreg s19;
	s9 =	simm.s32 $0x8  }
0xb: {  	s5 =	smul.u32 $0x5000, s2;
	s17 =	sshrl.u32 s0, $0x1;
	s7 =	sshrl.u32 s16, $0x2  }
0xc: {  	p0 =	seq.s32 s2, $0x1F;
	s2 =	simm.s32 $0x1C400;
	s16 =	simm.s32 $0x14F00  }
0xd: {  	s6 =	sadd.s32 s15, s6;
	s0 =	ssub.s32 s0, s17;
	s18 =	sadd.s32 s7, s3  }
0xe: {  	s7 =	sor.u32 $0x1C09, s19;
	s19 =	simm.s32 $0x13C00;
	s5 =	sshrl.u32 s5, $0x3  }
0xf: {  	[dreg:$0x6] =	wrdreg s7;
	s0 =	smax.u32 s0, $0x1;
	s5 =	sadd.s32 s5, s4  }
0x10: {  	s15 =	simm.s32 $0x6;
	[dreg:$0x10] =	wrdreg s0;
	s20 =	sadd.s32 $0x1000, s5  }
0x11: {  	s17 =	simm.s32 $0x16200;
	s21 =	sadd.s32 $0x14880, s5;
	[dreg:$0x7] =	wrdreg s20  }
0x12: {  	s6 =	sshrl.u32 s6, $0x3;
	s22 =	sadd.s32 $0x1280, s5;
	[dreg:$0x8] =	wrdreg s21  }
0x13: {  	s18 =	sshrl.u32 s18, $0x3;
	s23 =	sadd.s32 $0x14B00, s5;
	[dreg:$0x9] =	wrdreg s22  }
0x14: {  	s7 =	simm.s32 $0x15180;
	s24 =	sadd.s32 $0x1500, s5;
	[dreg:$0xa] =	wrdreg s23  }
0x15: {  	s4 =	sadd.s32 s6, s4;
	s25 =	sadd.s32 $0x14D80, s5;
	[dreg:$0xb] =	wrdreg s24  }
0x16: {  	s0 =	simm.s32 $0x2;
	s26 =	sadd.s32 $0x1780, s5;
	[dreg:$0xc] =	wrdreg s25  }
.Ltmp0:
0x17: {  	s5 =	sadd.s32 $0x15000, s5;
	[dreg:$0xd] =	wrdreg s26;
	(pc) =	sbr.rel .LBB2_1-.Ltmp0, $4  }
0x18: {  	s6 =	simm.s32 $0x14F80;
	s4 =	sadd.s32 $0x2AA00, s4;
	[dreg:$0xe] =	wrdreg s5  }
0x19: {  	[dreg:$0xf] =	wrdreg s4;
	s20 =	simm.s32 $0xA;
	s21 =	simm.s32 $0x15000  }
0x1a: {  	s22 =	simm.s32 $0x40;
	s23 =	simm.s32 $0x16400;
	s25 =	simm.s32 $0x18400  }
0x1b: {  	s26 =	simm.s32 $0x9;
	s5 =	simm.s32 $0x4;
	s24 =	simm.s32 $0x16280  }
.LBB2_10:
0x1c: {  	[spmem:s3] =	stream.indirect.scatter.add.f32 [tilespmem:s2], [sflag:$0x8], $0x80, s14, s22, $0xb8;
	[tilespmem:$0x1E400] =	vst v63  }
0x1d: {  	_ =	swait.ge [sflag:s8], $0x2000  }
0x1e: {  	[sflag:s8] =	ssyncset.done $0x0  }
0x1f: {  	[sflag:s8] =	ssyncadd.s32 $0xFFFFE000  }
0x20: {  	[tilespmem:s29], [sflag:$0x3] =	stream.indirect.gather [hbm4b:s1+s22], $0x80, s16, s22, $0xb8;
	[tilespmem:$0x1E400] =	vst v63  }
0x21: {  	_ =	swait.ge [sflag:s30], $0x2000  }
0x22: {  	[sflag:s30] =	ssyncset.done $0x0  }
0x23: {  	[sflag:s30] =	ssyncadd.s32 $0xFFFFE000  }
0x24: {  	[spmem:s3] =	stream.indirect.scatter.add.f32 [tilespmem:s23], [sflag:$0x5], $0x80, s17, s22, $0xb8;
	[tilespmem:$0x1E400] =	vst v63  }
0x25: {  	_ =	swait.ge [sflag:s9], $0x2000  }
0x26: {  	[sflag:s9] =	ssyncset.done $0x0  }
0x27: {  	[sflag:s9] =	ssyncadd.s32 $0xFFFFE000  }
0x28: {  	[tilespmem:s2], [sflag:$0x4] =	stream.indirect.gather [hbm4b:s1+s22], $0x80, s6, s22, $0xb8;
	[tilespmem:$0x1E400] =	vst v63  }
0x29: {  	_ =	swait.ge [sflag:s0], $0x2000  }
0x2a: {  	[sflag:s0] =	ssyncset.done $0x0  }
0x2b: {  	[sflag:s0] =	ssyncadd.s32 $0xFFFFE000  }
0x2c: {  	[spmem:s3] =	stream.indirect.scatter.add.f32 [tilespmem:s25], [sflag:$0x6], $0x80, s24, s22, $0xb8;
	[tilespmem:$0x1E400] =	vst v63  }
0x2d: {  	_ =	swait.ge [sflag:s11], $0x2000  }
0x2e: {  	[sflag:s11] =	ssyncset.done $0x0  }
0x2f: {  	[sflag:s11] =	ssyncadd.s32 $0xFFFFE000  }
0x30: {  	_ =	swait.ge [sflag:s13], $0x2000  }
0x31: {  	[sflag:s13] =	ssyncset.done $0x0  }
0x32: {  	[sflag:s13] =	ssyncadd.s32 $0xFFFFE000  }
0x33: {  	[spmem:s3] =	stream.indirect.scatter.add.f32 [tilespmem:s29], [sflag:$0x7], $0x80, s28, s22, $0xb8;
	[tilespmem:$0x1E400] =	vst v63  }
0x34: {  	_ =	swait.ge [sflag:s15], $0x2000  }
0x35: {  	[sflag:s15] =	ssyncset.done $0x0  }
0x36: {  	[sflag:s15] =	ssyncadd.s32 $0xFFFFE000  }
0x37: {  	_ =	swait.ge [sflag:s5], $0x2000  }
0x38: {  	[sflag:s5] =	ssyncset.done $0x0  }
0x39: {  	[sflag:s5] =	ssyncadd.s32 $0xFFFFE000  }
0x3a: {  	[spmem:s3] =	stream.indirect.scatter.add.f32 [tilespmem:s2], [sflag:$0x8], $0x80, s31, s22, $0xb8;
	[tilespmem:$0x1E400] =	vst v63  }
0x3b: {  	_ =	swait.ge [sflag:s8], $0x2000  }
0x3c: {  	[sflag:s8] =	ssyncset.done $0x0  }
0x3d: {  	[sflag:s8] =	ssyncadd.s32 $0xFFFFE000  }
0x3e: {  	_ =	swait.ge [sflag:s9], $0x2000  }
0x3f: {  	[sflag:s9] =	ssyncset.done $0x0  }
0x40: {  	[sflag:s9] =	ssyncadd.s32 $0xFFFFE000  }
.LBB2_11:
0x41: {  	[bflag:$0x0] =	sbarrier.arrive $0xFFFF  }
0x42: {  	s4 =	rddreg [dreg:$0x5]  }
0x43: {  	s12 =	rddreg [dreg:$0xf];
	s4 =	sor.u32 $0x1C0A, s4  }
0x44: {  	[hbm:s12], [sflag:s4] =	dma.local [spmem:s18], $0x2780  }
0x45: {  	_ =	swait.ge [sflag:s20], $0x2780  }
0x46: {  	s10 =	sadd.s32 $0x1, s10;
	s14 =	rddreg [dreg:$0x10]  }
0x47: {  	p1 =	sne.s32 s10, s14  }
.Ltmp1:
0x48: {  	_ = 	snop;
	(pc) =	sbr.rel @!p1 .LBB2_12-.Ltmp1, $3  }
0x49: {  	_ =	sdelay $0x1  }
0x4a: {  	[sflag:s20] =	ssyncset.done $0x0  }
0x4b: {  	[sflag:s20] =	ssyncadd.s32 $0xFFFFD880  }
.LBB2_1:
0x4c: {  	s4 =	rddreg [dreg:$0x4]  }
0x4d: {  	s12 =	rddreg [dreg:$0x6]  }
0x4e: {  	[spmem:s18], [sflag:s12] =	dma.local [hbm:s4], $0x2780  }
0x4f: {  	s4 =	simm.s32 $0x0;
	s12 =	rddreg [dreg:$0x7]  }
0x50: {  	[tilespmem:s19], [sflag:$0xA] =	stream.linear.gather [hbm4b:s12+s4], $0x1400, $0x38;
	[tilespmem:$0x1E400] =	vst v63  }
0x51: {  	_ =	swait.ge [sflag:s20], $0x1400  }
0x52: {  	[sflag:s20] =	ssyncset.done $0x0  }
0x53: {  	s14 =	rddreg [dreg:$0x8];
	[sflag:s20] =	ssyncadd.s32 $0xFFFFEC00  }
0x54: {  	[tilespmem:s21], [sflag:$0xA] =	stream.linear.gather [hbm4b:s14+s4], $0x1400, $0x38;
	[tilespmem:$0x1E400] =	vst v63  }
0x55: {  	_ =	swait.ge [sflag:s20], $0x1400  }
0x56: {  	[sflag:s20] =	ssyncset.done $0x0  }
0x57: {  	[sflag:s20] =	ssyncadd.s32 $0xFFFFEC00  }
0x58: {  	[tilespmem:s23], [sflag:$0x1] =	stream.indirect.gather [hbm4b:s1+s22], $0x80, s19, s22, $0xb8;
	[tilespmem:$0x1E400] =	vst v63  }
0x59: {  	s12 =	simm.s32 $0x13C80  }
0x5a: {  	[tilespmem:s25], [sflag:$0x2] =	stream.indirect.gather [hbm4b:s1+s22], $0x80, s12, s22, $0xb8;
	[tilespmem:$0x1E400] =	vst v63  }
0x5b: {  	_ =	swait.ge [sflag:s26], $0x2780  }
0x5c: {  	[sflag:s26] =	ssyncset.done $0x0  }
0x5d: {  	[sflag:s26] =	ssyncadd.s32 $0xFFFFD880  }
0x5e: {  	s14 =	simm.s32 $0x13D00;
	[bflag:$0x0] =	sbarrier.arrive $0xFFFF  }
0x5f: {  	[tilespmem:s29], [sflag:$0x3] =	stream.indirect.gather [hbm4b:s1+s22], $0x80, s14, s22, $0xb8;
	[tilespmem:$0x1E400] =	vst v63  }
0x60: {  	_ =	swait.ge [sflag:s30], $0x2000  }
0x61: {  	[sflag:s30] =	ssyncset.done $0x0  }
0x62: {  	[sflag:s30] =	ssyncadd.s32 $0xFFFFE000  }
0x63: {  	[spmem:s3] =	stream.indirect.scatter.add.f32 [tilespmem:s23], [sflag:$0x5], $0x80, s21, s22, $0xb8;
	[tilespmem:$0x1E400] =	vst v63  }
0x64: {  	s12 =	simm.s32 $0x13D80  }
0x65: {  	[tilespmem:s2], [sflag:$0x4] =	stream.indirect.gather [hbm4b:s1+s22], $0x80, s12, s22, $0xb8;
	[tilespmem:$0x1E400] =	vst v63  }
0x66: {  	_ =	swait.ge [sflag:s0], $0x2000  }
0x67: {  	[sflag:s0] =	ssyncset.done $0x0  }
0x68: {  	s14 =	simm.s32 $0x15080;
	[sflag:s0] =	ssyncadd.s32 $0xFFFFE000  }
0x69: {  	[spmem:s3] =	stream.indirect.scatter.add.f32 [tilespmem:s25], [sflag:$0x6], $0x80, s14, s22, $0xb8;
	[tilespmem:$0x1E400] =	vst v63  }
0x6a: {  	_ =	swait.ge [sflag:s11], $0x2000  }
0x6b: {  	[sflag:s11] =	ssyncset.done $0x0  }
0x6c: {  	s12 =	simm.s32 $0x13E00;
	[sflag:s11] =	ssyncadd.s32 $0xFFFFE000  }
0x6d: {  	[tilespmem:s23], [sflag:$0x1] =	stream.indirect.gather [hbm4b:s1+s22], $0x80, s12, s22, $0xb8;
	[tilespmem:$0x1E400] =	vst v63  }
0x6e: {  	_ =	swait.ge [sflag:s13], $0x2000  }
0x6f: {  	[sflag:s13] =	ssyncset.done $0x0  }
0x70: {  	s14 =	simm.s32 $0x15100;
	[sflag:s13] =	ssyncadd.s32 $0xFFFFE000  }
0x71: {  	[spmem:s3] =	stream.indirect.scatter.add.f32 [tilespmem:s29], [sflag:$0x7], $0x80, s14, s22, $0xb8;
	[tilespmem:$0x1E400] =	vst v63  }
0x72: {  	_ =	swait.ge [sflag:s15], $0x2000  }
0x73: {  	[sflag:s15] =	ssyncset.done $0x0  }
0x74: {  	s12 =	simm.s32 $0x13E80;
	[sflag:s15] =	ssyncadd.s32 $0xFFFFE000  }
0x75: {  	[tilespmem:s25], [sflag:$0x2] =	stream.indirect.gather [hbm4b:s1+s22], $0x80, s12, s22, $0xb8;
	[tilespmem:$0x1E400] =	vst v63  }
0x76: {  	_ =	swait.ge [sflag:s5], $0x2000  }
0x77: {  	[sflag:s5] =	ssyncset.done $0x0  }
0x78: {  	[sflag:s5] =	ssyncadd.s32 $0xFFFFE000  }
0x79: {  	[spmem:s3] =	stream.indirect.scatter.add.f32 [tilespmem:s2], [sflag:$0x8], $0x80, s7, s22, $0xb8;
	[tilespmem:$0x1E400] =	vst v63  }
0x7a: {  	_ =	swait.ge [sflag:s8], $0x2000  }
0x7b: {  	[sflag:s8] =	ssyncset.done $0x0  }
0x7c: {  	s14 =	simm.s32 $0x13F00;
	[sflag:s8] =	ssyncadd.s32 $0xFFFFE000  }
0x7d: {  	[tilespmem:s29], [sflag:$0x3] =	stream.indirect.gather [hbm4b:s1+s22], $0x80, s14, s22, $0xb8;
	[tilespmem:$0x1E400] =	vst v63  }
0x7e: {  	_ =	swait.ge [sflag:s30], $0x2000  }
0x7f: {  	[sflag:s30] =	ssyncset.done $0x0  }
0x80: {  	s4 =	simm.s32 $0x15200;
	[sflag:s30] =	ssyncadd.s32 $0xFFFFE000  }
0x81: {  	[spmem:s3] =	stream.indirect.scatter.add.f32 [tilespmem:s23], [sflag:$0x5], $0x80, s4, s22, $0xb8;
	[tilespmem:$0x1E400] =	vst v63  }
0x82: {  	_ =	swait.ge [sflag:s9], $0x2000  }
0x83: {  	[sflag:s9] =	ssyncset.done $0x0  }
0x84: {  	s14 =	simm.s32 $0x13F80;
	[sflag:s9] =	ssyncadd.s32 $0xFFFFE000  }
0x85: {  	[tilespmem:s2], [sflag:$0x4] =	stream.indirect.gather [hbm4b:s1+s22], $0x80, s14, s22, $0xb8;
	[tilespmem:$0x1E400] =	vst v63  }
0x86: {  	_ =	swait.ge [sflag:s0], $0x2000  }
0x87: {  	[sflag:s0] =	ssyncset.done $0x0  }
0x88: {  	s4 =	simm.s32 $0x15280;
	[sflag:s0] =	ssyncadd.s32 $0xFFFFE000  }
0x89: {  	[spmem:s3] =	stream.indirect.scatter.add.f32 [tilespmem:s25], [sflag:$0x6], $0x80, s4, s22, $0xb8;
	[tilespmem:$0x1E400] =	vst v63  }
0x8a: {  	_ =	swait.ge [sflag:s11], $0x2000  }
0x8b: {  	[sflag:s11] =	ssyncset.done $0x0  }
0x8c: {  	s14 =	simm.s32 $0x14000;
	[sflag:s11] =	ssyncadd.s32 $0xFFFFE000  }
0x8d: {  	[tilespmem:s23], [sflag:$0x1] =	stream.indirect.gather [hbm4b:s1+s22], $0x80, s14, s22, $0xb8;
	[tilespmem:$0x1E400] =	vst v63  }
0x8e: {  	_ =	swait.ge [sflag:s13], $0x2000  }
0x8f: {  	[sflag:s13] =	ssyncset.done $0x0  }
0x90: {  	s4 =	simm.s32 $0x15300;
	[sflag:s13] =	ssyncadd.s32 $0xFFFFE000  }
0x91: {  	[spmem:s3] =	stream.indirect.scatter.add.f32 [tilespmem:s29], [sflag:$0x7], $0x80, s4, s22, $0xb8;
	[tilespmem:$0x1E400] =	vst v63  }
0x92: {  	_ =	swait.ge [sflag:s15], $0x2000  }
0x93: {  	[sflag:s15] =	ssyncset.done $0x0  }
0x94: {  	s14 =	simm.s32 $0x14080;
	[sflag:s15] =	ssyncadd.s32 $0xFFFFE000  }
0x95: {  	[tilespmem:s25], [sflag:$0x2] =	stream.indirect.gather [hbm4b:s1+s22], $0x80, s14, s22, $0xb8;
	[tilespmem:$0x1E400] =	vst v63  }
0x96: {  	_ =	swait.ge [sflag:s5], $0x2000  }
0x97: {  	[sflag:s5] =	ssyncset.done $0x0  }
0x98: {  	s12 =	simm.s32 $0x800;
	s14 =	simm.s32 $0x15380;
	[sflag:s5] =	ssyncadd.s32 $0xFFFFE000  }
.LBB2_2:
0x99: {  	[spmem:s3] =	stream.indirect.scatter.add.f32 [tilespmem:s2], [sflag:$0x8], $0x80, s14, s22, $0xb8;
	[tilespmem:$0x1E400] =	vst v63  }
0x9a: {  	s14 =	smov.u32 s12  }
0x9b: {  	p1 =	sne.s32 s12, $0x3800;
	s12 =	sadd.s32 $0x800, s12;
	_ =	swait.ge [sflag:s8], $0x2000  }
0x9c: {  	s14 =	sshra.s32 s14, $0x2;
	[sflag:s8] =	ssyncset.done $0x0  }
0x9d: {  	s4 =	sadd.s32 $0x13F00, s14;
	[sflag:s8] =	ssyncadd.s32 $0xFFFFE000  }
0x9e: {  	[tilespmem:s29], [sflag:$0x3] =	stream.indirect.gather [hbm4b:s1+s22], $0x80, s4, s22, $0xb8;
	[tilespmem:$0x1E400] =	vst v63  }
0x9f: {  	_ =	swait.ge [sflag:s30], $0x2000  }
0xa0: {  	[sflag:s30] =	ssyncset.done $0x0  }
0xa1: {  	s4 =	sadd.s32 $0x15200, s14;
	[sflag:s30] =	ssyncadd.s32 $0xFFFFE000  }
0xa2: {  	[spmem:s3] =	stream.indirect.scatter.add.f32 [tilespmem:s23], [sflag:$0x5], $0x80, s4, s22, $0xb8;
	[tilespmem:$0x1E400] =	vst v63  }
0xa3: {  	_ =	swait.ge [sflag:s9], $0x2000  }
0xa4: {  	[sflag:s9] =	ssyncset.done $0x0  }
0xa5: {  	s4 =	sadd.s32 $0x13F80, s14;
	[sflag:s9] =	ssyncadd.s32 $0xFFFFE000  }
0xa6: {  	[tilespmem:s2], [sflag:$0x4] =	stream.indirect.gather [hbm4b:s1+s22], $0x80, s4, s22, $0xb8;
	[tilespmem:$0x1E400] =	vst v63  }
0xa7: {  	_ =	swait.ge [sflag:s0], $0x2000  }
0xa8: {  	[sflag:s0] =	ssyncset.done $0x0  }
0xa9: {  	s4 =	sadd.s32 $0x15280, s14;
	[sflag:s0] =	ssyncadd.s32 $0xFFFFE000  }
0xaa: {  	[spmem:s3] =	stream.indirect.scatter.add.f32 [tilespmem:s25], [sflag:$0x6], $0x80, s4, s22, $0xb8;
	[tilespmem:$0x1E400] =	vst v63  }
0xab: {  	_ =	swait.ge [sflag:s11], $0x2000  }
0xac: {  	[sflag:s11] =	ssyncset.done $0x0  }
0xad: {  	s4 =	sadd.s32 $0x14000, s14;
	[sflag:s11] =	ssyncadd.s32 $0xFFFFE000  }
0xae: {  	[tilespmem:s23], [sflag:$0x1] =	stream.indirect.gather [hbm4b:s1+s22], $0x80, s4, s22, $0xb8;
	[tilespmem:$0x1E400] =	vst v63  }
0xaf: {  	_ =	swait.ge [sflag:s13], $0x2000  }
0xb0: {  	[sflag:s13] =	ssyncset.done $0x0  }
0xb1: {  	s4 =	sadd.s32 $0x15300, s14;
	[sflag:s13] =	ssyncadd.s32 $0xFFFFE000  }
0xb2: {  	[spmem:s3] =	stream.indirect.scatter.add.f32 [tilespmem:s29], [sflag:$0x7], $0x80, s4, s22, $0xb8;
	[tilespmem:$0x1E400] =	vst v63  }
0xb3: {  	_ =	swait.ge [sflag:s15], $0x2000  }
0xb4: {  	[sflag:s15] =	ssyncset.done $0x0  }
.Ltmp2:
0xb5: {  	s4 =	sadd.s32 $0x14080, s14;
	[sflag:s15] =	ssyncadd.s32 $0xFFFFE000;
	(pc) =	sbr.rel @p1 .LBB2_2-.Ltmp2, $4  }
0xb6: {  	[tilespmem:s25], [sflag:$0x2] =	stream.indirect.gather [hbm4b:s1+s22], $0x80, s4, s22, $0xb8;
	[tilespmem:$0x1E400] =	vst v63  }
0xb7: {  	_ =	swait.ge [sflag:s5], $0x2000  }
0xb8: {  	[sflag:s5] =	ssyncset.done $0x0  }
0xb9: {  	s14 =	sadd.s32 $0x15380, s14;
	[sflag:s5] =	ssyncadd.s32 $0xFFFFE000  }
0xba: {  	[spmem:s3] =	stream.indirect.scatter.add.f32 [tilespmem:s2], [sflag:$0x8], $0x80, s14, s22, $0xb8;
	[tilespmem:$0x1E400] =	vst v63  }
0xbb: {  	_ =	swait.ge [sflag:s8], $0x2000  }
0xbc: {  	[sflag:s8] =	ssyncset.done $0x0  }
0xbd: {  	[sflag:s8] =	ssyncadd.s32 $0xFFFFE000  }
0xbe: {  	[tilespmem:s29], [sflag:$0x3] =	stream.indirect.gather [hbm4b:s1+s22], $0x80, s16, s22, $0xb8;
	[tilespmem:$0x1E400] =	vst v63  }
0xbf: {  	_ =	swait.ge [sflag:s30], $0x2000  }
0xc0: {  	[sflag:s30] =	ssyncset.done $0x0  }
0xc1: {  	[sflag:s30] =	ssyncadd.s32 $0xFFFFE000  }
0xc2: {  	[spmem:s3] =	stream.indirect.scatter.add.f32 [tilespmem:s23], [sflag:$0x5], $0x80, s17, s22, $0xb8;
	[tilespmem:$0x1E400] =	vst v63  }
0xc3: {  	_ =	swait.ge [sflag:s9], $0x2000  }
0xc4: {  	[sflag:s9] =	ssyncset.done $0x0  }
0xc5: {  	[sflag:s9] =	ssyncadd.s32 $0xFFFFE000  }
0xc6: {  	[tilespmem:s2], [sflag:$0x4] =	stream.indirect.gather [hbm4b:s1+s22], $0x80, s6, s22, $0xb8;
	[tilespmem:$0x1E400] =	vst v63  }
0xc7: {  	_ =	swait.ge [sflag:s0], $0x2000  }
0xc8: {  	[sflag:s0] =	ssyncset.done $0x0  }
0xc9: {  	[sflag:s0] =	ssyncadd.s32 $0xFFFFE000  }
0xca: {  	[spmem:s3] =	stream.indirect.scatter.add.f32 [tilespmem:s25], [sflag:$0x6], $0x80, s24, s22, $0xb8;
	[tilespmem:$0x1E400] =	vst v63  }
0xcb: {  	_ =	swait.ge [sflag:s11], $0x2000  }
0xcc: {  	[sflag:s11] =	ssyncset.done $0x0  }
0xcd: {  	[sflag:s11] =	ssyncadd.s32 $0xFFFFE000  }
0xce: {  	_ =	swait.ge [sflag:s13], $0x2000  }
0xcf: {  	[sflag:s13] =	ssyncset.done $0x0  }
0xd0: {  	[sflag:s13] =	ssyncadd.s32 $0xFFFFE000  }
0xd1: {  	[spmem:s3] =	stream.indirect.scatter.add.f32 [tilespmem:s29], [sflag:$0x7], $0x80, s28, s22, $0xb8;
	[tilespmem:$0x1E400] =	vst v63  }
0xd2: {  	_ =	swait.ge [sflag:s15], $0x2000  }
0xd3: {  	[sflag:s15] =	ssyncset.done $0x0  }
0xd4: {  	[sflag:s15] =	ssyncadd.s32 $0xFFFFE000  }
0xd5: {  	_ =	swait.ge [sflag:s5], $0x2000  }
0xd6: {  	[sflag:s5] =	ssyncset.done $0x0  }
0xd7: {  	[sflag:s5] =	ssyncadd.s32 $0xFFFFE000  }
0xd8: {  	[spmem:s3] =	stream.indirect.scatter.add.f32 [tilespmem:s2], [sflag:$0x8], $0x80, s31, s22, $0xb8;
	[tilespmem:$0x1E400] =	vst v63  }
0xd9: {  	_ =	swait.ge [sflag:s8], $0x2000  }
.Ltmp3:
0xda: {  	[sflag:s8] =	ssyncset.done $0x0;
	(pc) =	sbr.rel @p0 .LBB2_11-.Ltmp3, $4  }
0xdb: {  	[sflag:s8] =	ssyncadd.s32 $0xFFFFE000  }
0xdc: {  	_ =	swait.ge [sflag:s9], $0x2000  }
0xdd: {  	[sflag:s9] =	ssyncset.done $0x0  }
0xde: {  	[sflag:s9] =	ssyncadd.s32 $0xFFFFE000  }
0xdf: {  	s4 =	simm.s32 $0x0;
	s12 =	rddreg [dreg:$0x9]  }
0xe0: {  	[tilespmem:s19], [sflag:$0xA] =	stream.linear.gather [hbm4b:s12+s4], $0x1400, $0x38;
	[tilespmem:$0x1E400] =	vst v63  }
0xe1: {  	_ =	swait.ge [sflag:s20], $0x1400  }
0xe2: {  	[sflag:s20] =	ssyncset.done $0x0  }
0xe3: {  	s14 =	rddreg [dreg:$0xa];
	[sflag:s20] =	ssyncadd.s32 $0xFFFFEC00  }
0xe4: {  	[tilespmem:s21], [sflag:$0xA] =	stream.linear.gather [hbm4b:s14+s4], $0x1400, $0x38;
	[tilespmem:$0x1E400] =	vst v63  }
0xe5: {  	_ =	swait.ge [sflag:s20], $0x1400  }
0xe6: {  	[sflag:s20] =	ssyncset.done $0x0  }
0xe7: {  	[sflag:s20] =	ssyncadd.s32 $0xFFFFEC00  }
0xe8: {  	[tilespmem:s23], [sflag:$0x1] =	stream.indirect.gather [hbm4b:s1+s22], $0x80, s19, s22, $0xb8;
	[tilespmem:$0x1E400] =	vst v63  }
0xe9: {  	s12 =	simm.s32 $0x13C80  }
0xea: {  	[tilespmem:s25], [sflag:$0x2] =	stream.indirect.gather [hbm4b:s1+s22], $0x80, s12, s22, $0xb8;
	[tilespmem:$0x1E400] =	vst v63  }
0xeb: {  	s14 =	simm.s32 $0x13D00  }
0xec: {  	[tilespmem:s29], [sflag:$0x3] =	stream.indirect.gather [hbm4b:s1+s22], $0x80, s14, s22, $0xb8;
	[tilespmem:$0x1E400] =	vst v63  }
0xed: {  	_ =	swait.ge [sflag:s30], $0x2000  }
0xee: {  	[sflag:s30] =	ssyncset.done $0x0  }
0xef: {  	[sflag:s30] =	ssyncadd.s32 $0xFFFFE000  }
0xf0: {  	[spmem:s3] =	stream.indirect.scatter.add.f32 [tilespmem:s23], [sflag:$0x5], $0x80, s21, s22, $0xb8;
	[tilespmem:$0x1E400] =	vst v63  }
0xf1: {  	s12 =	simm.s32 $0x13D80  }
0xf2: {  	[tilespmem:s2], [sflag:$0x4] =	stream.indirect.gather [hbm4b:s1+s22], $0x80, s12, s22, $0xb8;
	[tilespmem:$0x1E400] =	vst v63  }
0xf3: {  	_ =	swait.ge [sflag:s0], $0x2000  }
0xf4: {  	[sflag:s0] =	ssyncset.done $0x0  }
0xf5: {  	s14 =	simm.s32 $0x15080;
	[sflag:s0] =	ssyncadd.s32 $0xFFFFE000  }
0xf6: {  	[spmem:s3] =	stream.indirect.scatter.add.f32 [tilespmem:s25], [sflag:$0x6], $0x80, s14, s22, $0xb8;
	[tilespmem:$0x1E400] =	vst v63  }
0xf7: {  	_ =	swait.ge [sflag:s11], $0x2000  }
0xf8: {  	[sflag:s11] =	ssyncset.done $0x0  }
0xf9: {  	s12 =	simm.s32 $0x13E00;
	[sflag:s11] =	ssyncadd.s32 $0xFFFFE000  }
0xfa: {  	[tilespmem:s23], [sflag:$0x1] =	stream.indirect.gather [hbm4b:s1+s22], $0x80, s12, s22, $0xb8;
	[tilespmem:$0x1E400] =	vst v63  }
0xfb: {  	_ =	swait.ge [sflag:s13], $0x2000  }
0xfc: {  	[sflag:s13] =	ssyncset.done $0x0  }
0xfd: {  	s14 =	simm.s32 $0x15100;
	[sflag:s13] =	ssyncadd.s32 $0xFFFFE000  }
0xfe: {  	[spmem:s3] =	stream.indirect.scatter.add.f32 [tilespmem:s29], [sflag:$0x7], $0x80, s14, s22, $0xb8;
	[tilespmem:$0x1E400] =	vst v63  }
0xff: {  	_ =	swait.ge [sflag:s15], $0x2000  }
0x100: {  	[sflag:s15] =	ssyncset.done $0x0  }
0x101: {  	s12 =	simm.s32 $0x13E80;
	[sflag:s15] =	ssyncadd.s32 $0xFFFFE000  }
0x102: {  	[tilespmem:s25], [sflag:$0x2] =	stream.indirect.gather [hbm4b:s1+s22], $0x80, s12, s22, $0xb8;
	[tilespmem:$0x1E400] =	vst v63  }
0x103: {  	_ =	swait.ge [sflag:s5], $0x2000  }
0x104: {  	[sflag:s5] =	ssyncset.done $0x0  }
0x105: {  	[sflag:s5] =	ssyncadd.s32 $0xFFFFE000  }
0x106: {  	[spmem:s3] =	stream.indirect.scatter.add.f32 [tilespmem:s2], [sflag:$0x8], $0x80, s7, s22, $0xb8;
	[tilespmem:$0x1E400] =	vst v63  }
0x107: {  	_ =	swait.ge [sflag:s8], $0x2000  }
0x108: {  	[sflag:s8] =	ssyncset.done $0x0  }
0x109: {  	s14 =	simm.s32 $0x13F00;
	[sflag:s8] =	ssyncadd.s32 $0xFFFFE000  }
0x10a: {  	[tilespmem:s29], [sflag:$0x3] =	stream.indirect.gather [hbm4b:s1+s22], $0x80, s14, s22, $0xb8;
	[tilespmem:$0x1E400] =	vst v63  }
0x10b: {  	_ =	swait.ge [sflag:s30], $0x2000  }
0x10c: {  	[sflag:s30] =	ssyncset.done $0x0  }
0x10d: {  	s12 =	simm.s32 $0x15200;
	[sflag:s30] =	ssyncadd.s32 $0xFFFFE000  }
0x10e: {  	[spmem:s3] =	stream.indirect.scatter.add.f32 [tilespmem:s23], [sflag:$0x5], $0x80, s12, s22, $0xb8;
	[tilespmem:$0x1E400] =	vst v63  }
0x10f: {  	_ =	swait.ge [sflag:s9], $0x2000  }
0x110: {  	[sflag:s9] =	ssyncset.done $0x0  }
0x111: {  	s14 =	simm.s32 $0x13F80;
	[sflag:s9] =	ssyncadd.s32 $0xFFFFE000  }
0x112: {  	[tilespmem:s2], [sflag:$0x4] =	stream.indirect.gather [hbm4b:s1+s22], $0x80, s14, s22, $0xb8;
	[tilespmem:$0x1E400] =	vst v63  }
0x113: {  	_ =	swait.ge [sflag:s0], $0x2000  }
0x114: {  	[sflag:s0] =	ssyncset.done $0x0  }
0x115: {  	s12 =	simm.s32 $0x15280;
	[sflag:s0] =	ssyncadd.s32 $0xFFFFE000  }
0x116: {  	[spmem:s3] =	stream.indirect.scatter.add.f32 [tilespmem:s25], [sflag:$0x6], $0x80, s12, s22, $0xb8;
	[tilespmem:$0x1E400] =	vst v63  }
0x117: {  	_ =	swait.ge [sflag:s11], $0x2000  }
0x118: {  	[sflag:s11] =	ssyncset.done $0x0  }
0x119: {  	s14 =	simm.s32 $0x14000;
	[sflag:s11] =	ssyncadd.s32 $0xFFFFE000  }
0x11a: {  	[tilespmem:s23], [sflag:$0x1] =	stream.indirect.gather [hbm4b:s1+s22], $0x80, s14, s22, $0xb8;
	[tilespmem:$0x1E400] =	vst v63  }
0x11b: {  	_ =	swait.ge [sflag:s13], $0x2000  }
0x11c: {  	[sflag:s13] =	ssyncset.done $0x0  }
0x11d: {  	s12 =	simm.s32 $0x15300;
	[sflag:s13] =	ssyncadd.s32 $0xFFFFE000  }
0x11e: {  	[spmem:s3] =	stream.indirect.scatter.add.f32 [tilespmem:s29], [sflag:$0x7], $0x80, s12, s22, $0xb8;
	[tilespmem:$0x1E400] =	vst v63  }
0x11f: {  	_ =	swait.ge [sflag:s15], $0x2000  }
0x120: {  	[sflag:s15] =	ssyncset.done $0x0  }
0x121: {  	s14 =	simm.s32 $0x14080;
	[sflag:s15] =	ssyncadd.s32 $0xFFFFE000  }
0x122: {  	[tilespmem:s25], [sflag:$0x2] =	stream.indirect.gather [hbm4b:s1+s22], $0x80, s14, s22, $0xb8;
	[tilespmem:$0x1E400] =	vst v63  }
0x123: {  	_ =	swait.ge [sflag:s5], $0x2000  }
0x124: {  	[sflag:s5] =	ssyncset.done $0x0  }
0x125: {  	s12 =	simm.s32 $0x800;
	s14 =	simm.s32 $0x15380;
	[sflag:s5] =	ssyncadd.s32 $0xFFFFE000  }
.LBB2_5:
0x126: {  	[spmem:s3] =	stream.indirect.scatter.add.f32 [tilespmem:s2], [sflag:$0x8], $0x80, s14, s22, $0xb8;
	[tilespmem:$0x1E400] =	vst v63  }
0x127: {  	s4 =	smov.u32 s12  }
0x128: {  	p1 =	sne.s32 s12, $0x3800;
	s12 =	sadd.s32 $0x800, s12;
	_ =	swait.ge [sflag:s8], $0x2000  }
0x129: {  	s14 =	sshra.s32 s4, $0x2;
	[sflag:s8] =	ssyncset.done $0x0  }
0x12a: {  	s4 =	sadd.s32 $0x13F00, s14;
	[sflag:s8] =	ssyncadd.s32 $0xFFFFE000  }
0x12b: {  	[tilespmem:s29], [sflag:$0x3] =	stream.indirect.gather [hbm4b:s1+s22], $0x80, s4, s22, $0xb8;
	[tilespmem:$0x1E400] =	vst v63  }
0x12c: {  	_ =	swait.ge [sflag:s30], $0x2000  }
0x12d: {  	[sflag:s30] =	ssyncset.done $0x0  }
0x12e: {  	s4 =	sadd.s32 $0x15200, s14;
	[sflag:s30] =	ssyncadd.s32 $0xFFFFE000  }
0x12f: {  	[spmem:s3] =	stream.indirect.scatter.add.f32 [tilespmem:s23], [sflag:$0x5], $0x80, s4, s22, $0xb8;
	[tilespmem:$0x1E400] =	vst v63  }
0x130: {  	_ =	swait.ge [sflag:s9], $0x2000  }
0x131: {  	[sflag:s9] =	ssyncset.done $0x0  }
0x132: {  	s4 =	sadd.s32 $0x13F80, s14;
	[sflag:s9] =	ssyncadd.s32 $0xFFFFE000  }
0x133: {  	[tilespmem:s2], [sflag:$0x4] =	stream.indirect.gather [hbm4b:s1+s22], $0x80, s4, s22, $0xb8;
	[tilespmem:$0x1E400] =	vst v63  }
0x134: {  	_ =	swait.ge [sflag:s0], $0x2000  }
0x135: {  	[sflag:s0] =	ssyncset.done $0x0  }
0x136: {  	s4 =	sadd.s32 $0x15280, s14;
	[sflag:s0] =	ssyncadd.s32 $0xFFFFE000  }
0x137: {  	[spmem:s3] =	stream.indirect.scatter.add.f32 [tilespmem:s25], [sflag:$0x6], $0x80, s4, s22, $0xb8;
	[tilespmem:$0x1E400] =	vst v63  }
0x138: {  	_ =	swait.ge [sflag:s11], $0x2000  }
0x139: {  	[sflag:s11] =	ssyncset.done $0x0  }
0x13a: {  	s4 =	sadd.s32 $0x14000, s14;
	[sflag:s11] =	ssyncadd.s32 $0xFFFFE000  }
0x13b: {  	[tilespmem:s23], [sflag:$0x1] =	stream.indirect.gather [hbm4b:s1+s22], $0x80, s4, s22, $0xb8;
	[tilespmem:$0x1E400] =	vst v63  }
0x13c: {  	_ =	swait.ge [sflag:s13], $0x2000  }
0x13d: {  	[sflag:s13] =	ssyncset.done $0x0  }
0x13e: {  	s4 =	sadd.s32 $0x15300, s14;
	[sflag:s13] =	ssyncadd.s32 $0xFFFFE000  }
0x13f: {  	[spmem:s3] =	stream.indirect.scatter.add.f32 [tilespmem:s29], [sflag:$0x7], $0x80, s4, s22, $0xb8;
	[tilespmem:$0x1E400] =	vst v63  }
0x140: {  	_ =	swait.ge [sflag:s15], $0x2000  }
0x141: {  	[sflag:s15] =	ssyncset.done $0x0  }
.Ltmp4:
0x142: {  	s4 =	sadd.s32 $0x14080, s14;
	[sflag:s15] =	ssyncadd.s32 $0xFFFFE000;
	(pc) =	sbr.rel @p1 .LBB2_5-.Ltmp4, $4  }
0x143: {  	[tilespmem:s25], [sflag:$0x2] =	stream.indirect.gather [hbm4b:s1+s22], $0x80, s4, s22, $0xb8;
	[tilespmem:$0x1E400] =	vst v63  }
0x144: {  	_ =	swait.ge [sflag:s5], $0x2000  }
0x145: {  	[sflag:s5] =	ssyncset.done $0x0  }
0x146: {  	s14 =	sadd.s32 $0x15380, s14;
	[sflag:s5] =	ssyncadd.s32 $0xFFFFE000  }
0x147: {  	[spmem:s3] =	stream.indirect.scatter.add.f32 [tilespmem:s2], [sflag:$0x8], $0x80, s14, s22, $0xb8;
	[tilespmem:$0x1E400] =	vst v63  }
0x148: {  	_ =	swait.ge [sflag:s8], $0x2000  }
0x149: {  	[sflag:s8] =	ssyncset.done $0x0  }
0x14a: {  	[sflag:s8] =	ssyncadd.s32 $0xFFFFE000  }
0x14b: {  	[tilespmem:s29], [sflag:$0x3] =	stream.indirect.gather [hbm4b:s1+s22], $0x80, s16, s22, $0xb8;
	[tilespmem:$0x1E400] =	vst v63  }
0x14c: {  	_ =	swait.ge [sflag:s30], $0x2000  }
0x14d: {  	[sflag:s30] =	ssyncset.done $0x0  }
0x14e: {  	[sflag:s30] =	ssyncadd.s32 $0xFFFFE000  }
0x14f: {  	[spmem:s3] =	stream.indirect.scatter.add.f32 [tilespmem:s23], [sflag:$0x5], $0x80, s17, s22, $0xb8;
	[tilespmem:$0x1E400] =	vst v63  }
0x150: {  	_ =	swait.ge [sflag:s9], $0x2000  }
0x151: {  	[sflag:s9] =	ssyncset.done $0x0  }
0x152: {  	[sflag:s9] =	ssyncadd.s32 $0xFFFFE000  }
0x153: {  	[tilespmem:s2], [sflag:$0x4] =	stream.indirect.gather [hbm4b:s1+s22], $0x80, s6, s22, $0xb8;
	[tilespmem:$0x1E400] =	vst v63  }
0x154: {  	_ =	swait.ge [sflag:s0], $0x2000  }
0x155: {  	[sflag:s0] =	ssyncset.done $0x0  }
0x156: {  	[sflag:s0] =	ssyncadd.s32 $0xFFFFE000  }
0x157: {  	[spmem:s3] =	stream.indirect.scatter.add.f32 [tilespmem:s25], [sflag:$0x6], $0x80, s24, s22, $0xb8;
	[tilespmem:$0x1E400] =	vst v63  }
0x158: {  	_ =	swait.ge [sflag:s11], $0x2000  }
0x159: {  	[sflag:s11] =	ssyncset.done $0x0  }
0x15a: {  	[sflag:s11] =	ssyncadd.s32 $0xFFFFE000  }
0x15b: {  	_ =	swait.ge [sflag:s13], $0x2000  }
0x15c: {  	[sflag:s13] =	ssyncset.done $0x0  }
0x15d: {  	[sflag:s13] =	ssyncadd.s32 $0xFFFFE000  }
0x15e: {  	[spmem:s3] =	stream.indirect.scatter.add.f32 [tilespmem:s29], [sflag:$0x7], $0x80, s28, s22, $0xb8;
	[tilespmem:$0x1E400] =	vst v63  }
0x15f: {  	_ =	swait.ge [sflag:s15], $0x2000  }
0x160: {  	[sflag:s15] =	ssyncset.done $0x0  }
0x161: {  	[sflag:s15] =	ssyncadd.s32 $0xFFFFE000  }
0x162: {  	_ =	swait.ge [sflag:s5], $0x2000  }
0x163: {  	[sflag:s5] =	ssyncset.done $0x0  }
0x164: {  	[sflag:s5] =	ssyncadd.s32 $0xFFFFE000  }
0x165: {  	[spmem:s3] =	stream.indirect.scatter.add.f32 [tilespmem:s2], [sflag:$0x8], $0x80, s31, s22, $0xb8;
	[tilespmem:$0x1E400] =	vst v63  }
0x166: {  	_ =	swait.ge [sflag:s8], $0x2000  }
0x167: {  	[sflag:s8] =	ssyncset.done $0x0  }
0x168: {  	[sflag:s8] =	ssyncadd.s32 $0xFFFFE000  }
0x169: {  	_ =	swait.ge [sflag:s9], $0x2000  }
0x16a: {  	[sflag:s9] =	ssyncset.done $0x0  }
0x16b: {  	s4 =	simm.s32 $0x0;
	s12 =	rddreg [dreg:$0xb];
	[sflag:s9] =	ssyncadd.s32 $0xFFFFE000  }
0x16c: {  	[tilespmem:s19], [sflag:$0xA] =	stream.linear.gather [hbm4b:s12+s4], $0x1400, $0x38;
	[tilespmem:$0x1E400] =	vst v63  }
0x16d: {  	_ =	swait.ge [sflag:s20], $0x1400  }
0x16e: {  	[sflag:s20] =	ssyncset.done $0x0  }
0x16f: {  	s14 =	rddreg [dreg:$0xc];
	[sflag:s20] =	ssyncadd.s32 $0xFFFFEC00  }
0x170: {  	[tilespmem:s21], [sflag:$0xA] =	stream.linear.gather [hbm4b:s14+s4], $0x1400, $0x38;
	[tilespmem:$0x1E400] =	vst v63  }
0x171: {  	_ =	swait.ge [sflag:s20], $0x1400  }
0x172: {  	[sflag:s20] =	ssyncset.done $0x0  }
0x173: {  	[sflag:s20] =	ssyncadd.s32 $0xFFFFEC00  }
0x174: {  	[tilespmem:s23], [sflag:$0x1] =	stream.indirect.gather [hbm4b:s1+s22], $0x80, s19, s22, $0xb8;
	[tilespmem:$0x1E400] =	vst v63  }
0x175: {  	s12 =	simm.s32 $0x13C80  }
0x176: {  	[tilespmem:s25], [sflag:$0x2] =	stream.indirect.gather [hbm4b:s1+s22], $0x80, s12, s22, $0xb8;
	[tilespmem:$0x1E400] =	vst v63  }
0x177: {  	s14 =	simm.s32 $0x13D00  }
0x178: {  	[tilespmem:s29], [sflag:$0x3] =	stream.indirect.gather [hbm4b:s1+s22], $0x80, s14, s22, $0xb8;
	[tilespmem:$0x1E400] =	vst v63  }
0x179: {  	_ =	swait.ge [sflag:s30], $0x2000  }
0x17a: {  	[sflag:s30] =	ssyncset.done $0x0  }
0x17b: {  	[sflag:s30] =	ssyncadd.s32 $0xFFFFE000  }
0x17c: {  	[spmem:s3] =	stream.indirect.scatter.add.f32 [tilespmem:s23], [sflag:$0x5], $0x80, s21, s22, $0xb8;
	[tilespmem:$0x1E400] =	vst v63  }
0x17d: {  	s12 =	simm.s32 $0x13D80  }
0x17e: {  	[tilespmem:s2], [sflag:$0x4] =	stream.indirect.gather [hbm4b:s1+s22], $0x80, s12, s22, $0xb8;
	[tilespmem:$0x1E400] =	vst v63  }
0x17f: {  	_ =	swait.ge [sflag:s0], $0x2000  }
0x180: {  	[sflag:s0] =	ssyncset.done $0x0  }
0x181: {  	s14 =	simm.s32 $0x15080;
	[sflag:s0] =	ssyncadd.s32 $0xFFFFE000  }
0x182: {  	[spmem:s3] =	stream.indirect.scatter.add.f32 [tilespmem:s25], [sflag:$0x6], $0x80, s14, s22, $0xb8;
	[tilespmem:$0x1E400] =	vst v63  }
0x183: {  	_ =	swait.ge [sflag:s11], $0x2000  }
0x184: {  	[sflag:s11] =	ssyncset.done $0x0  }
0x185: {  	s12 =	simm.s32 $0x13E00;
	[sflag:s11] =	ssyncadd.s32 $0xFFFFE000  }
0x186: {  	[tilespmem:s23], [sflag:$0x1] =	stream.indirect.gather [hbm4b:s1+s22], $0x80, s12, s22, $0xb8;
	[tilespmem:$0x1E400] =	vst v63  }
0x187: {  	_ =	swait.ge [sflag:s13], $0x2000  }
0x188: {  	[sflag:s13] =	ssyncset.done $0x0  }
0x189: {  	s14 =	simm.s32 $0x15100;
	[sflag:s13] =	ssyncadd.s32 $0xFFFFE000  }
0x18a: {  	[spmem:s3] =	stream.indirect.scatter.add.f32 [tilespmem:s29], [sflag:$0x7], $0x80, s14, s22, $0xb8;
	[tilespmem:$0x1E400] =	vst v63  }
0x18b: {  	_ =	swait.ge [sflag:s15], $0x2000  }
0x18c: {  	[sflag:s15] =	ssyncset.done $0x0  }
0x18d: {  	s12 =	simm.s32 $0x13E80;
	[sflag:s15] =	ssyncadd.s32 $0xFFFFE000  }
0x18e: {  	[tilespmem:s25], [sflag:$0x2] =	stream.indirect.gather [hbm4b:s1+s22], $0x80, s12, s22, $0xb8;
	[tilespmem:$0x1E400] =	vst v63  }
0x18f: {  	_ =	swait.ge [sflag:s5], $0x2000  }
0x190: {  	[sflag:s5] =	ssyncset.done $0x0  }
0x191: {  	[sflag:s5] =	ssyncadd.s32 $0xFFFFE000  }
0x192: {  	[spmem:s3] =	stream.indirect.scatter.add.f32 [tilespmem:s2], [sflag:$0x8], $0x80, s7, s22, $0xb8;
	[tilespmem:$0x1E400] =	vst v63  }
0x193: {  	_ =	swait.ge [sflag:s8], $0x2000  }
0x194: {  	[sflag:s8] =	ssyncset.done $0x0  }
0x195: {  	s14 =	simm.s32 $0x13F00;
	[sflag:s8] =	ssyncadd.s32 $0xFFFFE000  }
0x196: {  	[tilespmem:s29], [sflag:$0x3] =	stream.indirect.gather [hbm4b:s1+s22], $0x80, s14, s22, $0xb8;
	[tilespmem:$0x1E400] =	vst v63  }
0x197: {  	_ =	swait.ge [sflag:s30], $0x2000  }
0x198: {  	[sflag:s30] =	ssyncset.done $0x0  }
0x199: {  	s12 =	simm.s32 $0x15200;
	[sflag:s30] =	ssyncadd.s32 $0xFFFFE000  }
0x19a: {  	[spmem:s3] =	stream.indirect.scatter.add.f32 [tilespmem:s23], [sflag:$0x5], $0x80, s12, s22, $0xb8;
	[tilespmem:$0x1E400] =	vst v63  }
0x19b: {  	_ =	swait.ge [sflag:s9], $0x2000  }
0x19c: {  	[sflag:s9] =	ssyncset.done $0x0  }
0x19d: {  	s14 =	simm.s32 $0x13F80;
	[sflag:s9] =	ssyncadd.s32 $0xFFFFE000  }
0x19e: {  	[tilespmem:s2], [sflag:$0x4] =	stream.indirect.gather [hbm4b:s1+s22], $0x80, s14, s22, $0xb8;
	[tilespmem:$0x1E400] =	vst v63  }
0x19f: {  	_ =	swait.ge [sflag:s0], $0x2000  }
0x1a0: {  	[sflag:s0] =	ssyncset.done $0x0  }
0x1a1: {  	s12 =	simm.s32 $0x15280;
	[sflag:s0] =	ssyncadd.s32 $0xFFFFE000  }
0x1a2: {  	[spmem:s3] =	stream.indirect.scatter.add.f32 [tilespmem:s25], [sflag:$0x6], $0x80, s12, s22, $0xb8;
	[tilespmem:$0x1E400] =	vst v63  }
0x1a3: {  	_ =	swait.ge [sflag:s11], $0x2000  }
0x1a4: {  	[sflag:s11] =	ssyncset.done $0x0  }
0x1a5: {  	s14 =	simm.s32 $0x14000;
	[sflag:s11] =	ssyncadd.s32 $0xFFFFE000  }
0x1a6: {  	[tilespmem:s23], [sflag:$0x1] =	stream.indirect.gather [hbm4b:s1+s22], $0x80, s14, s22, $0xb8;
	[tilespmem:$0x1E400] =	vst v63  }
0x1a7: {  	_ =	swait.ge [sflag:s13], $0x2000  }
0x1a8: {  	[sflag:s13] =	ssyncset.done $0x0  }
0x1a9: {  	s12 =	simm.s32 $0x15300;
	[sflag:s13] =	ssyncadd.s32 $0xFFFFE000  }
0x1aa: {  	[spmem:s3] =	stream.indirect.scatter.add.f32 [tilespmem:s29], [sflag:$0x7], $0x80, s12, s22, $0xb8;
	[tilespmem:$0x1E400] =	vst v63  }
0x1ab: {  	_ =	swait.ge [sflag:s15], $0x2000  }
0x1ac: {  	[sflag:s15] =	ssyncset.done $0x0  }
0x1ad: {  	s14 =	simm.s32 $0x14080;
	[sflag:s15] =	ssyncadd.s32 $0xFFFFE000  }
0x1ae: {  	[tilespmem:s25], [sflag:$0x2] =	stream.indirect.gather [hbm4b:s1+s22], $0x80, s14, s22, $0xb8;
	[tilespmem:$0x1E400] =	vst v63  }
0x1af: {  	_ =	swait.ge [sflag:s5], $0x2000  }
0x1b0: {  	[sflag:s5] =	ssyncset.done $0x0  }
0x1b1: {  	s12 =	simm.s32 $0x800;
	s14 =	simm.s32 $0x15380;
	[sflag:s5] =	ssyncadd.s32 $0xFFFFE000  }
.LBB2_7:
0x1b2: {  	[spmem:s3] =	stream.indirect.scatter.add.f32 [tilespmem:s2], [sflag:$0x8], $0x80, s14, s22, $0xb8;
	[tilespmem:$0x1E400] =	vst v63  }
0x1b3: {  	s4 =	smov.u32 s12  }
0x1b4: {  	p1 =	sne.s32 s12, $0x3800;
	s12 =	sadd.s32 $0x800, s12;
	_ =	swait.ge [sflag:s8], $0x2000  }
0x1b5: {  	s14 =	sshra.s32 s4, $0x2;
	[sflag:s8] =	ssyncset.done $0x0  }
0x1b6: {  	s4 =	sadd.s32 $0x13F00, s14;
	[sflag:s8] =	ssyncadd.s32 $0xFFFFE000  }
0x1b7: {  	[tilespmem:s29], [sflag:$0x3] =	stream.indirect.gather [hbm4b:s1+s22], $0x80, s4, s22, $0xb8;
	[tilespmem:$0x1E400] =	vst v63  }
0x1b8: {  	_ =	swait.ge [sflag:s30], $0x2000  }
0x1b9: {  	[sflag:s30] =	ssyncset.done $0x0  }
0x1ba: {  	s4 =	sadd.s32 $0x15200, s14;
	[sflag:s30] =	ssyncadd.s32 $0xFFFFE000  }
0x1bb: {  	[spmem:s3] =	stream.indirect.scatter.add.f32 [tilespmem:s23], [sflag:$0x5], $0x80, s4, s22, $0xb8;
	[tilespmem:$0x1E400] =	vst v63  }
0x1bc: {  	_ =	swait.ge [sflag:s9], $0x2000  }
0x1bd: {  	[sflag:s9] =	ssyncset.done $0x0  }
0x1be: {  	s4 =	sadd.s32 $0x13F80, s14;
	[sflag:s9] =	ssyncadd.s32 $0xFFFFE000  }
0x1bf: {  	[tilespmem:s2], [sflag:$0x4] =	stream.indirect.gather [hbm4b:s1+s22], $0x80, s4, s22, $0xb8;
	[tilespmem:$0x1E400] =	vst v63  }
0x1c0: {  	_ =	swait.ge [sflag:s0], $0x2000  }
0x1c1: {  	[sflag:s0] =	ssyncset.done $0x0  }
0x1c2: {  	s4 =	sadd.s32 $0x15280, s14;
	[sflag:s0] =	ssyncadd.s32 $0xFFFFE000  }
0x1c3: {  	[spmem:s3] =	stream.indirect.scatter.add.f32 [tilespmem:s25], [sflag:$0x6], $0x80, s4, s22, $0xb8;
	[tilespmem:$0x1E400] =	vst v63  }
0x1c4: {  	_ =	swait.ge [sflag:s11], $0x2000  }
0x1c5: {  	[sflag:s11] =	ssyncset.done $0x0  }
0x1c6: {  	s4 =	sadd.s32 $0x14000, s14;
	[sflag:s11] =	ssyncadd.s32 $0xFFFFE000  }
0x1c7: {  	[tilespmem:s23], [sflag:$0x1] =	stream.indirect.gather [hbm4b:s1+s22], $0x80, s4, s22, $0xb8;
	[tilespmem:$0x1E400] =	vst v63  }
0x1c8: {  	_ =	swait.ge [sflag:s13], $0x2000  }
0x1c9: {  	[sflag:s13] =	ssyncset.done $0x0  }
0x1ca: {  	s4 =	sadd.s32 $0x15300, s14;
	[sflag:s13] =	ssyncadd.s32 $0xFFFFE000  }
0x1cb: {  	[spmem:s3] =	stream.indirect.scatter.add.f32 [tilespmem:s29], [sflag:$0x7], $0x80, s4, s22, $0xb8;
	[tilespmem:$0x1E400] =	vst v63  }
0x1cc: {  	_ =	swait.ge [sflag:s15], $0x2000  }
0x1cd: {  	[sflag:s15] =	ssyncset.done $0x0  }
.Ltmp5:
0x1ce: {  	s4 =	sadd.s32 $0x14080, s14;
	[sflag:s15] =	ssyncadd.s32 $0xFFFFE000;
	(pc) =	sbr.rel @p1 .LBB2_7-.Ltmp5, $4  }
0x1cf: {  	[tilespmem:s25], [sflag:$0x2] =	stream.indirect.gather [hbm4b:s1+s22], $0x80, s4, s22, $0xb8;
	[tilespmem:$0x1E400] =	vst v63  }
0x1d0: {  	_ =	swait.ge [sflag:s5], $0x2000  }
0x1d1: {  	[sflag:s5] =	ssyncset.done $0x0  }
0x1d2: {  	s14 =	sadd.s32 $0x15380, s14;
	[sflag:s5] =	ssyncadd.s32 $0xFFFFE000  }
0x1d3: {  	[spmem:s3] =	stream.indirect.scatter.add.f32 [tilespmem:s2], [sflag:$0x8], $0x80, s14, s22, $0xb8;
	[tilespmem:$0x1E400] =	vst v63  }
0x1d4: {  	_ =	swait.ge [sflag:s8], $0x2000  }
0x1d5: {  	[sflag:s8] =	ssyncset.done $0x0  }
0x1d6: {  	[sflag:s8] =	ssyncadd.s32 $0xFFFFE000  }
0x1d7: {  	[tilespmem:s29], [sflag:$0x3] =	stream.indirect.gather [hbm4b:s1+s22], $0x80, s16, s22, $0xb8;
	[tilespmem:$0x1E400] =	vst v63  }
0x1d8: {  	_ =	swait.ge [sflag:s30], $0x2000  }
0x1d9: {  	[sflag:s30] =	ssyncset.done $0x0  }
0x1da: {  	[sflag:s30] =	ssyncadd.s32 $0xFFFFE000  }
0x1db: {  	[spmem:s3] =	stream.indirect.scatter.add.f32 [tilespmem:s23], [sflag:$0x5], $0x80, s17, s22, $0xb8;
	[tilespmem:$0x1E400] =	vst v63  }
0x1dc: {  	_ =	swait.ge [sflag:s9], $0x2000  }
0x1dd: {  	[sflag:s9] =	ssyncset.done $0x0  }
0x1de: {  	[sflag:s9] =	ssyncadd.s32 $0xFFFFE000  }
0x1df: {  	[tilespmem:s2], [sflag:$0x4] =	stream.indirect.gather [hbm4b:s1+s22], $0x80, s6, s22, $0xb8;
	[tilespmem:$0x1E400] =	vst v63  }
0x1e0: {  	_ =	swait.ge [sflag:s0], $0x2000  }
0x1e1: {  	[sflag:s0] =	ssyncset.done $0x0  }
0x1e2: {  	[sflag:s0] =	ssyncadd.s32 $0xFFFFE000  }
0x1e3: {  	[spmem:s3] =	stream.indirect.scatter.add.f32 [tilespmem:s25], [sflag:$0x6], $0x80, s24, s22, $0xb8;
	[tilespmem:$0x1E400] =	vst v63  }
0x1e4: {  	_ =	swait.ge [sflag:s11], $0x2000  }
0x1e5: {  	[sflag:s11] =	ssyncset.done $0x0  }
0x1e6: {  	[sflag:s11] =	ssyncadd.s32 $0xFFFFE000  }
0x1e7: {  	_ =	swait.ge [sflag:s13], $0x2000  }
0x1e8: {  	[sflag:s13] =	ssyncset.done $0x0  }
0x1e9: {  	[sflag:s13] =	ssyncadd.s32 $0xFFFFE000  }
0x1ea: {  	[spmem:s3] =	stream.indirect.scatter.add.f32 [tilespmem:s29], [sflag:$0x7], $0x80, s28, s22, $0xb8;
	[tilespmem:$0x1E400] =	vst v63  }
0x1eb: {  	_ =	swait.ge [sflag:s15], $0x2000  }
0x1ec: {  	[sflag:s15] =	ssyncset.done $0x0  }
0x1ed: {  	[sflag:s15] =	ssyncadd.s32 $0xFFFFE000  }
0x1ee: {  	_ =	swait.ge [sflag:s5], $0x2000  }
0x1ef: {  	[sflag:s5] =	ssyncset.done $0x0  }
0x1f0: {  	[sflag:s5] =	ssyncadd.s32 $0xFFFFE000  }
0x1f1: {  	[spmem:s3] =	stream.indirect.scatter.add.f32 [tilespmem:s2], [sflag:$0x8], $0x80, s31, s22, $0xb8;
	[tilespmem:$0x1E400] =	vst v63  }
0x1f2: {  	_ =	swait.ge [sflag:s8], $0x2000  }
0x1f3: {  	[sflag:s8] =	ssyncset.done $0x0  }
0x1f4: {  	[sflag:s8] =	ssyncadd.s32 $0xFFFFE000  }
0x1f5: {  	_ =	swait.ge [sflag:s9], $0x2000  }
0x1f6: {  	[sflag:s9] =	ssyncset.done $0x0  }
0x1f7: {  	s4 =	simm.s32 $0x0;
	s12 =	rddreg [dreg:$0xd];
	[sflag:s9] =	ssyncadd.s32 $0xFFFFE000  }
0x1f8: {  	[tilespmem:s19], [sflag:$0xA] =	stream.linear.gather [hbm4b:s12+s4], $0x1400, $0x38;
	[tilespmem:$0x1E400] =	vst v63  }
0x1f9: {  	_ =	swait.ge [sflag:s20], $0x1400  }
0x1fa: {  	[sflag:s20] =	ssyncset.done $0x0  }
0x1fb: {  	s14 =	rddreg [dreg:$0xe];
	[sflag:s20] =	ssyncadd.s32 $0xFFFFEC00  }
0x1fc: {  	[tilespmem:s21], [sflag:$0xA] =	stream.linear.gather [hbm4b:s14+s4], $0x1400, $0x38;
	[tilespmem:$0x1E400] =	vst v63  }
0x1fd: {  	_ =	swait.ge [sflag:s20], $0x1400  }
0x1fe: {  	[sflag:s20] =	ssyncset.done $0x0  }
0x1ff: {  	[sflag:s20] =	ssyncadd.s32 $0xFFFFEC00  }
0x200: {  	[tilespmem:s23], [sflag:$0x1] =	stream.indirect.gather [hbm4b:s1+s22], $0x80, s19, s22, $0xb8;
	[tilespmem:$0x1E400] =	vst v63  }
0x201: {  	s12 =	simm.s32 $0x13C80  }
0x202: {  	[tilespmem:s25], [sflag:$0x2] =	stream.indirect.gather [hbm4b:s1+s22], $0x80, s12, s22, $0xb8;
	[tilespmem:$0x1E400] =	vst v63  }
0x203: {  	s14 =	simm.s32 $0x13D00  }
0x204: {  	[tilespmem:s29], [sflag:$0x3] =	stream.indirect.gather [hbm4b:s1+s22], $0x80, s14, s22, $0xb8;
	[tilespmem:$0x1E400] =	vst v63  }
0x205: {  	_ =	swait.ge [sflag:s30], $0x2000  }
0x206: {  	[sflag:s30] =	ssyncset.done $0x0  }
0x207: {  	[sflag:s30] =	ssyncadd.s32 $0xFFFFE000  }
0x208: {  	[spmem:s3] =	stream.indirect.scatter.add.f32 [tilespmem:s23], [sflag:$0x5], $0x80, s21, s22, $0xb8;
	[tilespmem:$0x1E400] =	vst v63  }
0x209: {  	s12 =	simm.s32 $0x13D80  }
0x20a: {  	[tilespmem:s2], [sflag:$0x4] =	stream.indirect.gather [hbm4b:s1+s22], $0x80, s12, s22, $0xb8;
	[tilespmem:$0x1E400] =	vst v63  }
0x20b: {  	_ =	swait.ge [sflag:s0], $0x2000  }
0x20c: {  	[sflag:s0] =	ssyncset.done $0x0  }
0x20d: {  	s14 =	simm.s32 $0x15080;
	[sflag:s0] =	ssyncadd.s32 $0xFFFFE000  }
0x20e: {  	[spmem:s3] =	stream.indirect.scatter.add.f32 [tilespmem:s25], [sflag:$0x6], $0x80, s14, s22, $0xb8;
	[tilespmem:$0x1E400] =	vst v63  }
0x20f: {  	_ =	swait.ge [sflag:s11], $0x2000  }
0x210: {  	[sflag:s11] =	ssyncset.done $0x0  }
0x211: {  	s12 =	simm.s32 $0x13E00;
	[sflag:s11] =	ssyncadd.s32 $0xFFFFE000  }
0x212: {  	[tilespmem:s23], [sflag:$0x1] =	stream.indirect.gather [hbm4b:s1+s22], $0x80, s12, s22, $0xb8;
	[tilespmem:$0x1E400] =	vst v63  }
0x213: {  	_ =	swait.ge [sflag:s13], $0x2000  }
0x214: {  	[sflag:s13] =	ssyncset.done $0x0  }
0x215: {  	s14 =	simm.s32 $0x15100;
	[sflag:s13] =	ssyncadd.s32 $0xFFFFE000  }
0x216: {  	[spmem:s3] =	stream.indirect.scatter.add.f32 [tilespmem:s29], [sflag:$0x7], $0x80, s14, s22, $0xb8;
	[tilespmem:$0x1E400] =	vst v63  }
0x217: {  	_ =	swait.ge [sflag:s15], $0x2000  }
0x218: {  	[sflag:s15] =	ssyncset.done $0x0  }
0x219: {  	s12 =	simm.s32 $0x13E80;
	[sflag:s15] =	ssyncadd.s32 $0xFFFFE000  }
0x21a: {  	[tilespmem:s25], [sflag:$0x2] =	stream.indirect.gather [hbm4b:s1+s22], $0x80, s12, s22, $0xb8;
	[tilespmem:$0x1E400] =	vst v63  }
0x21b: {  	_ =	swait.ge [sflag:s5], $0x2000  }
0x21c: {  	[sflag:s5] =	ssyncset.done $0x0  }
0x21d: {  	[sflag:s5] =	ssyncadd.s32 $0xFFFFE000  }
0x21e: {  	[spmem:s3] =	stream.indirect.scatter.add.f32 [tilespmem:s2], [sflag:$0x8], $0x80, s7, s22, $0xb8;
	[tilespmem:$0x1E400] =	vst v63  }
0x21f: {  	_ =	swait.ge [sflag:s8], $0x2000  }
0x220: {  	[sflag:s8] =	ssyncset.done $0x0  }
0x221: {  	s14 =	simm.s32 $0x13F00;
	[sflag:s8] =	ssyncadd.s32 $0xFFFFE000  }
0x222: {  	[tilespmem:s29], [sflag:$0x3] =	stream.indirect.gather [hbm4b:s1+s22], $0x80, s14, s22, $0xb8;
	[tilespmem:$0x1E400] =	vst v63  }
0x223: {  	_ =	swait.ge [sflag:s30], $0x2000  }
0x224: {  	[sflag:s30] =	ssyncset.done $0x0  }
0x225: {  	s12 =	simm.s32 $0x15200;
	[sflag:s30] =	ssyncadd.s32 $0xFFFFE000  }
0x226: {  	[spmem:s3] =	stream.indirect.scatter.add.f32 [tilespmem:s23], [sflag:$0x5], $0x80, s12, s22, $0xb8;
	[tilespmem:$0x1E400] =	vst v63  }
0x227: {  	_ =	swait.ge [sflag:s9], $0x2000  }
0x228: {  	[sflag:s9] =	ssyncset.done $0x0  }
0x229: {  	s14 =	simm.s32 $0x13F80;
	[sflag:s9] =	ssyncadd.s32 $0xFFFFE000  }
0x22a: {  	[tilespmem:s2], [sflag:$0x4] =	stream.indirect.gather [hbm4b:s1+s22], $0x80, s14, s22, $0xb8;
	[tilespmem:$0x1E400] =	vst v63  }
0x22b: {  	_ =	swait.ge [sflag:s0], $0x2000  }
0x22c: {  	[sflag:s0] =	ssyncset.done $0x0  }
0x22d: {  	s12 =	simm.s32 $0x15280;
	[sflag:s0] =	ssyncadd.s32 $0xFFFFE000  }
0x22e: {  	[spmem:s3] =	stream.indirect.scatter.add.f32 [tilespmem:s25], [sflag:$0x6], $0x80, s12, s22, $0xb8;
	[tilespmem:$0x1E400] =	vst v63  }
0x22f: {  	_ =	swait.ge [sflag:s11], $0x2000  }
0x230: {  	[sflag:s11] =	ssyncset.done $0x0  }
0x231: {  	s14 =	simm.s32 $0x14000;
	[sflag:s11] =	ssyncadd.s32 $0xFFFFE000  }
0x232: {  	[tilespmem:s23], [sflag:$0x1] =	stream.indirect.gather [hbm4b:s1+s22], $0x80, s14, s22, $0xb8;
	[tilespmem:$0x1E400] =	vst v63  }
0x233: {  	_ =	swait.ge [sflag:s13], $0x2000  }
0x234: {  	[sflag:s13] =	ssyncset.done $0x0  }
0x235: {  	s12 =	simm.s32 $0x15300;
	[sflag:s13] =	ssyncadd.s32 $0xFFFFE000  }
0x236: {  	[spmem:s3] =	stream.indirect.scatter.add.f32 [tilespmem:s29], [sflag:$0x7], $0x80, s12, s22, $0xb8;
	[tilespmem:$0x1E400] =	vst v63  }
0x237: {  	_ =	swait.ge [sflag:s15], $0x2000  }
0x238: {  	[sflag:s15] =	ssyncset.done $0x0  }
0x239: {  	s14 =	simm.s32 $0x14080;
	[sflag:s15] =	ssyncadd.s32 $0xFFFFE000  }
0x23a: {  	[tilespmem:s25], [sflag:$0x2] =	stream.indirect.gather [hbm4b:s1+s22], $0x80, s14, s22, $0xb8;
	[tilespmem:$0x1E400] =	vst v63  }
0x23b: {  	_ =	swait.ge [sflag:s5], $0x2000  }
0x23c: {  	[sflag:s5] =	ssyncset.done $0x0  }
0x23d: {  	s12 =	simm.s32 $0x800;
	s14 =	simm.s32 $0x15380;
	[sflag:s5] =	ssyncadd.s32 $0xFFFFE000  }
.LBB2_9:
0x23e: {  	[spmem:s3] =	stream.indirect.scatter.add.f32 [tilespmem:s2], [sflag:$0x8], $0x80, s14, s22, $0xb8;
	[tilespmem:$0x1E400] =	vst v63  }
0x23f: {  	s4 =	smov.u32 s12  }
0x240: {  	p1 =	sne.s32 s12, $0x3800;
	s12 =	sadd.s32 $0x800, s12;
	_ =	swait.ge [sflag:s8], $0x2000  }
0x241: {  	s14 =	sshra.s32 s4, $0x2;
	[sflag:s8] =	ssyncset.done $0x0  }
0x242: {  	s4 =	sadd.s32 $0x13F00, s14;
	[sflag:s8] =	ssyncadd.s32 $0xFFFFE000  }
0x243: {  	[tilespmem:s29], [sflag:$0x3] =	stream.indirect.gather [hbm4b:s1+s22], $0x80, s4, s22, $0xb8;
	[tilespmem:$0x1E400] =	vst v63  }
0x244: {  	_ =	swait.ge [sflag:s30], $0x2000  }
0x245: {  	[sflag:s30] =	ssyncset.done $0x0  }
0x246: {  	s4 =	sadd.s32 $0x15200, s14;
	[sflag:s30] =	ssyncadd.s32 $0xFFFFE000  }
0x247: {  	[spmem:s3] =	stream.indirect.scatter.add.f32 [tilespmem:s23], [sflag:$0x5], $0x80, s4, s22, $0xb8;
	[tilespmem:$0x1E400] =	vst v63  }
0x248: {  	_ =	swait.ge [sflag:s9], $0x2000  }
0x249: {  	[sflag:s9] =	ssyncset.done $0x0  }
0x24a: {  	s4 =	sadd.s32 $0x13F80, s14;
	[sflag:s9] =	ssyncadd.s32 $0xFFFFE000  }
0x24b: {  	[tilespmem:s2], [sflag:$0x4] =	stream.indirect.gather [hbm4b:s1+s22], $0x80, s4, s22, $0xb8;
	[tilespmem:$0x1E400] =	vst v63  }
0x24c: {  	_ =	swait.ge [sflag:s0], $0x2000  }
0x24d: {  	[sflag:s0] =	ssyncset.done $0x0  }
0x24e: {  	s4 =	sadd.s32 $0x15280, s14;
	[sflag:s0] =	ssyncadd.s32 $0xFFFFE000  }
0x24f: {  	[spmem:s3] =	stream.indirect.scatter.add.f32 [tilespmem:s25], [sflag:$0x6], $0x80, s4, s22, $0xb8;
	[tilespmem:$0x1E400] =	vst v63  }
0x250: {  	_ =	swait.ge [sflag:s11], $0x2000  }
0x251: {  	[sflag:s11] =	ssyncset.done $0x0  }
0x252: {  	s4 =	sadd.s32 $0x14000, s14;
	[sflag:s11] =	ssyncadd.s32 $0xFFFFE000  }
0x253: {  	[tilespmem:s23], [sflag:$0x1] =	stream.indirect.gather [hbm4b:s1+s22], $0x80, s4, s22, $0xb8;
	[tilespmem:$0x1E400] =	vst v63  }
0x254: {  	_ =	swait.ge [sflag:s13], $0x2000  }
0x255: {  	[sflag:s13] =	ssyncset.done $0x0  }
0x256: {  	s4 =	sadd.s32 $0x15300, s14;
	[sflag:s13] =	ssyncadd.s32 $0xFFFFE000  }
0x257: {  	[spmem:s3] =	stream.indirect.scatter.add.f32 [tilespmem:s29], [sflag:$0x7], $0x80, s4, s22, $0xb8;
	[tilespmem:$0x1E400] =	vst v63  }
0x258: {  	_ =	swait.ge [sflag:s15], $0x2000  }
0x259: {  	[sflag:s15] =	ssyncset.done $0x0  }
.Ltmp6:
0x25a: {  	s4 =	sadd.s32 $0x14080, s14;
	[sflag:s15] =	ssyncadd.s32 $0xFFFFE000;
	(pc) =	sbr.rel @p1 .LBB2_9-.Ltmp6, $4  }
0x25b: {  	[tilespmem:s25], [sflag:$0x2] =	stream.indirect.gather [hbm4b:s1+s22], $0x80, s4, s22, $0xb8;
	[tilespmem:$0x1E400] =	vst v63  }
0x25c: {  	_ =	swait.ge [sflag:s5], $0x2000  }
0x25d: {  	[sflag:s5] =	ssyncset.done $0x0  }
0x25e: {  	s14 =	sadd.s32 $0x15380, s14;
	[sflag:s5] =	ssyncadd.s32 $0xFFFFE000  }
.Ltmp7:
0x25f: {  	_ = 	snop;
	(pc) =	sbr.rel .LBB2_10-.Ltmp7, $1  }
0x260: {  	_ =	sdelay $0x3  }
.LBB2_12:
0x261: {  	_ =	sfence.sel $0x180000  }
0x262: {  	[bflag:$0x0] =	sbarrier.arrive $0xFFFF  }
0x263: {  	_ =	strace $0x90000047  }
0x264: {  	s0 =	stileid.u32;
	[bflag:$0x2] =	sbarrier.arrive $0xFFFF  }
0x265: {  	p0 =	sne.s32 s0, $0x0;
	s0 =	rddreg [dreg:$0x3]  }
0x266: {  	s0 =	sadd.s32 @!p0 $0x100000, s0  }
0x267: {  	[sflag:s0] =	ssyncadd.tile.s32 @!p0 $0x1;
	_ =	shalt  }
.Lfunc_end2:
_tile_overlayer_lowered:
.L_overlay_start_2:
0x268: {  	(tag) =	ssettag $0x2  }
0x269: {  	s0 =	rddreg [dreg:$0x0];
	s2 =	stileid.u32  }
0x26a: {  	s1 =	rddreg [dreg:$0x1];
	p0 =	sne.s32 s2, $0x0  }
0x26b: {  	s3 =	rddreg [dreg:$0x2];
	[bflag:$0x3] =	sbarrier.arrive $0xFFFF;
	s2 =	simm.s32 @!p0 $0x1C0A  }
0x26c: {  	[timem:s3], [sflag:s2] =	dma.local @!p0 [hbm:s0], s1  }
0x26d: {  	s0 =	simm.s32 @!p0 $0xA  }
0x26e: {  	_ =	swait.ge @!p0 [sflag:s0], s1  }
0x26f: {  	s1 =	ssub.s32 @!p0 $0x0, s1;
	[sflag:s0] =	ssyncset.done @!p0 $0x0  }
0x270: {  	[sflag:s0] =	ssyncadd.s32 @!p0 s1  }
0x271: {  	[bflag:$0x3] =	sbarrier.arrive $0xFFFF  }
0x272: {  	_ =	shalt  }

</sc_bundles>
